<compile_context>
chip_gen: v7x
topology: tpu7x:2x2x1
jax: 0.10.2.dev20260603
libtpu: 0.0.44.dev20260713+nightly
codegen_flags: <defaults>
</compile_context>

<pallas_src>
import functools
import math

import jax
import jax.numpy as jnp
from jax import lax
from jax.experimental import pallas as pl
from jax.experimental.pallas import tpu as pltpu
from jax.experimental.pallas import tpu_sc as plsc

_G = 32
_MAX_T = 10000
_STEP_T = 1
_T = min(1 + _STEP_T, _MAX_T)
_DENO = math.log(_G) / (0.9 * _MAX_T)
_KSIZE = _G * math.exp(-_T * _DENO)
_SIGMA = 0.3 * ((_KSIZE - 1) * 0.5 - 1) + 0.8
_TWO_SIGMA_SQ = 2.0 * _SIGMA**2
_NEG_INV_2SQ = -1.0 / _TWO_SIGMA_SQ
_TEMP = math.exp(-(_T * 2) / _MAX_T)
_LANES = 16


def _dist_body(x_ref, u_ref, dist_ref):
    d = u_ref.shape[1]
    xc = x_ref[:] - 0.5
    uc = u_ref[:] - 0.5
    dn = (((1,), (1,)), ((), ()))
    un = jax.lax.dot_general(
        jnp.ones((1, d), jnp.float32), uc * uc, dn,
        preferred_element_type=jnp.float32,
        precision=jax.lax.Precision.HIGHEST)
    dot = jax.lax.dot_general(
        xc, uc, dn, preferred_element_type=jnp.float32,
        precision=jax.lax.Precision.HIGHEST)
    xn = jnp.sum(xc * xc, axis=1, keepdims=True)
    dist_ref[:] = (xn - 2.0 * dot) + un


_GDN = lax.GatherDimensionNumbers(
    offset_dims=(), collapsed_slice_dims=(0,), start_index_map=(0,))
_GDN2 = lax.GatherDimensionNumbers(
    offset_dims=(), collapsed_slice_dims=(0, 1), start_index_map=(0, 1))


def _shuffle(v, idx):
    return lax.gather(
        v, idx[:, None], _GDN, (1,),
        mode=lax.GatherScatterMode.PROMISE_IN_BOUNDS)


def _hmin(v, lane):
    for sh in (8, 4, 2, 1):
        v = jnp.minimum(v, _shuffle(v, lane ^ sh))
    return v


def _sc_body(ns, spw, dist_hbm, stage_hbm, bmu_hbm, part_hbm,
             dvec, stage_vmem, psum_vmem, grid_vmem, obuf_vmem):
    n = dist_hbm.shape[1]
    nchunk = n // _LANES
    cid = lax.axis_index("c")
    sid = lax.axis_index("s")
    wid = cid * ns + sid
    pltpu.sync_copy(dist_hbm.at[pl.ds(wid * spw, spw)], dvec)
    lane = lax.iota(jnp.int32, _LANES)

    def amin_body(c, carry):
        col = c * _LANES + lane
        out = []
        for s in range(spw):
            minv, argv = carry[s]
            v = dvec[s, pl.ds(c * _LANES, _LANES)]
            m = v < minv
            out.append((jnp.where(m, v, minv), jnp.where(m, col, argv)))
        return tuple(out)

    init = tuple((dvec[s, pl.ds(0, _LANES)], lane) for s in range(spw))
    carry = lax.fori_loop(1, nchunk, amin_body, init)

    bmu_vec = jnp.zeros((_LANES,), jnp.int32)
    bys, bxs = [], []
    for s in range(spw):
        minv, argv = carry[s]
        mval = _hmin(minv, lane)
        bidx = _hmin(jnp.where(minv == mval, argv, jnp.int32(1 << 30)), lane)
        bmu_vec = jnp.where(lane == s, bidx, bmu_vec)
        bys.append(bidx >> 5)
        bxs.append(bidx & 31)

    def loss_body(c, accs):
        col = c * _LANES + lane
        uy = col >> 5
        ux = col & 31
        out = []
        for s in range(spw):
            v = dvec[s, pl.ds(c * _LANES, _LANES)]
            dy = uy - bys[s]
            dx = ux - bxs[s]
            pd = (dy * dy + dx * dx).astype(jnp.float32)
            g = jnp.exp(pd * _NEG_INV_2SQ)
            g = jnp.where(g < 0.001, 0.0, g)
            out.append(accs[s] + g * g * v)
        return tuple(out)

    zero = jnp.zeros((_LANES,), jnp.float32)
    accs = lax.fori_loop(0, nchunk, loss_body, (zero,) * spw)
    acc = accs[0]
    for s in range(1, spw):
        acc = acc + accs[s]

    stage_vmem[0, pl.ds(0, _LANES)] = bmu_vec
    stage_vmem[0, pl.ds(_LANES, _LANES)] = jax.lax.bitcast_convert_type(
        acc, jnp.int32)
    pltpu.sync_copy(stage_vmem.at[0], stage_hbm.at[wid])
    plsc.subcore_barrier()

    @pl.when(sid == 0)
    def _():
        pltpu.sync_copy(stage_hbm.at[pl.ds(cid * ns, ns)], grid_vmem)
        for q in range(spw):
            vals = jnp.zeros((_LANES,), jnp.int32)
            for j in range(_LANES // spw):
                rowv = grid_vmem[q * (_LANES // spw) + j, pl.ds(0, _LANES)]
                shuf = _shuffle(rowv, lane & (spw - 1))
                vals = jnp.where((lane >> 2) == j, shuf, vals)
            obuf_vmem[q] = vals
        pltpu.sync_copy(obuf_vmem, bmu_hbm.at[pl.ds(cid * spw, spw)])
        psum = zero
        for r in range(ns):
            psum = psum + jax.lax.bitcast_convert_type(
                grid_vmem[r, pl.ds(_LANES, _LANES)], jnp.float32)
        psum_vmem[:] = psum
        pltpu.sync_copy(psum_vmem, part_hbm.at[cid])


def kernel(x, units):
    bsz = x.shape[0]
    d = units.shape[-1]
    n = units.shape[0] * units.shape[1]
    x2 = x.reshape(bsz, d)
    u2 = units.reshape(n, d)
    dist = pl.pallas_call(
        _dist_body,
        out_shape=jax.ShapeDtypeStruct((bsz, n), jnp.float32),
    )(x2, u2)

    info = plsc.get_sparse_core_info()
    nc, ns = info.num_cores, info.num_subcores
    spw = bsz // (nc * ns)
    mesh = plsc.VectorSubcoreMesh(core_axis_name="c", subcore_axis_name="s")
    sc = pl.kernel(
        functools.partial(_sc_body, ns, spw),
        mesh=mesh,
        out_type=(
            jax.ShapeDtypeStruct((nc * ns, 2 * _LANES), jnp.int32),
            jax.ShapeDtypeStruct((nc * spw, _LANES), jnp.int32),
            jax.ShapeDtypeStruct((nc, _LANES), jnp.float32),
        ),
        scratch_types=[
            pltpu.VMEM((spw, n), jnp.float32),
            pltpu.VMEM((spw, 2 * _LANES), jnp.int32),
            pltpu.VMEM((_LANES,), jnp.float32),
            pltpu.VMEM((ns, 2 * _LANES), jnp.int32),
            pltpu.VMEM((spw, _LANES), jnp.int32),
        ],
    )
    _, bmu_parts, loss_parts = sc(dist)
    bmu = bmu_parts.reshape(bsz, 1)
    loss = jnp.sum(loss_parts) * (_TEMP * _TEMP / (bsz * n * d))
    return bmu, loss

# --- scband reference (transcript-rebuilt; emitter-appended) ---
"""Pipeline reference for scband-somvector-quantizer-25194278159085 (READ-ONLY COPY).

The authoritative reference and input builder live on the scoring server;
editing this copy changes nothing except your own understanding.
"""

import jax, jax.numpy as jnp
import numpy as np
import math

G = 32
D = 256
MAX_T = 10000
STEP_T = 1

def _coord():
    yy, xx = jnp.meshgrid(jnp.arange(G), jnp.arange(G), indexing='ij')
    return jnp.stack([yy.ravel(), xx.ravel()], axis=1).astype(jnp.float32)

def setup_inputs(seed: int = 0):
    key = jax.random.key(seed)
    k1, k2 = jax.random.split(key)
    x = jax.random.uniform(k1, (128, 16, 4, 4), dtype=jnp.float32)
    units = jax.random.uniform(k2, (G, G, D), dtype=jnp.float32)
    return {"x": x, "units": units}

def reference(x, units):
    # torch module does x = x.detach() at the top
    x = jax.lax.stop_gradient(x)
    B = x.shape[0]
    coord = _coord()
    xf = x.reshape(B, 1, 1, -1)
    feat_diff = units[None, :, :, :] - xf                      # [B, G, G, D]
    feat_distance = jnp.sum(jax.lax.stop_gradient(feat_diff) ** 2, axis=3)  # [B, G, G]
    bmu_index = jnp.argmin(feat_distance.reshape(B, -1), axis=1)            # [B]
    bmu_pos = coord[bmu_index][:, None, :]                     # [B, 1, 2]
    pos_distance = ((coord[None, :, :] - bmu_pos) ** 2).sum(axis=2).reshape(B, G, G, 1)
    # state update in torch forward: warmup_t=0 -> else branch, t = min(1+step_t, max_t)
    t = min(1 + STEP_T, MAX_T)
    deno = math.log(G) / (0.9 * MAX_T)
    ksize = G * math.exp(-t * deno)
    sigma = 0.3 * ((ksize - 1) * 0.5 - 1) + 0.8
    gaussian = jnp.exp(-pos_distance / (2.0 * sigma ** 2))
    gaussian = jnp.where(gaussian < 0.001, 0.0, gaussian)
    temperature = math.exp(-(t * 2) / MAX_T)
    delta = temperature * gaussian * feat_diff                 # [B, G, G, D]
    loss = jnp.mean(delta ** 2)
    return bmu_index.reshape(B, 1), loss

if __name__ == "__main__":
    import jax
    _d = setup_inputs()
    print(jax.jit(kernel)(*tuple(_d.values())))

</pallas_src>

<mosaic_0001>
#map = affine_map<(d0, d1) -> (0, 0)>
module attributes {stable_mosaic.version = 14 : i64} {
  func.func @_sc_body(%arg0: i32, %arg1: i32, %arg2: memref<128x1024xf32, #tpu.memory_space<hbm>>, %arg3: memref<32x32xi32, #tpu.memory_space<hbm>>, %arg4: memref<8x16xi32, #tpu.memory_space<hbm>>, %arg5: memref<2x16xf32, #tpu.memory_space<hbm>>, %arg6: memref<4x1024xf32, #tpu.memory_space<vmem>>, %arg7: memref<4x32xi32, #tpu.memory_space<vmem>>, %arg8: memref<16xf32, #tpu.memory_space<vmem>>, %arg9: memref<16x32xi32, #tpu.memory_space<vmem>>, %arg10: memref<4x16xi32, #tpu.memory_space<vmem>>) attributes {dimension_semantics = [#tpu.dimension_semantics<core_parallel>, #tpu.dimension_semantics<subcore_parallel>], iteration_bounds = array<i64: 2, 16>, scalar_prefetch = 0 : i64, scratch_operands = 5 : i64, tpu.core_type = #tpu.core_type<sc_vector_subcore>, window_params = [{transform_indices = #map}, {transform_indices = #map}, {transform_indices = #map}, {transform_indices = #map}]} {
    %mul3A = arith.constant 16 : i32
    %mul3A_0 = arith.muli %arg0, %mul3A : i32
    %add3A = arith.addi %mul3A_0, %arg1 : i32
    %mul3A_1 = arith.constant 4 : i32
    %mul3A_2 = arith.muli %add3A, %mul3A_1 : i32
    "tpu.region"() ({
      %run_scoped3A_325 = tpu.sem_alloc : memref<!tpu.dma_semaphore, #tpu.memory_space<semaphore_mem>>
      %dma_start3A = arith.constant 0 : i32
      %dma_start3A_326 = tpu.memref_slice %arg2[%mul3A_2, %dma_start3A] : memref<128x1024xf32, #tpu.memory_space<hbm>> -> memref<4x1024xf32, #tpu.memory_space<hbm>>
      %dma_start3A_327 = arith.constant 0 : i32
      %dma_start3A_328 = tpu.memref_slice %arg2[%mul3A_2, %dma_start3A_327] : memref<128x1024xf32, #tpu.memory_space<hbm>> -> memref<4x1024xf32, #tpu.memory_space<hbm>>
      tpu.enqueue_dma source(%dma_start3A_328 : memref<4x1024xf32, #tpu.memory_space<hbm>>) target(%arg6 : memref<4x1024xf32, #tpu.memory_space<vmem>>) target_semaphore(%run_scoped3A_325 : memref<!tpu.dma_semaphore, #tpu.memory_space<semaphore_mem>>)
      %dma_wait3A = arith.constant 0 : i32
      %dma_wait3A_329 = tpu.memref_slice %arg2[%mul3A_2, %dma_wait3A] : memref<128x1024xf32, #tpu.memory_space<hbm>> -> memref<4x1024xf32, #tpu.memory_space<hbm>>
      %dma_wait3A_330 = arith.constant 0 : i32
      %dma_wait3A_331 = tpu.memref_slice %arg2[%mul3A_2, %dma_wait3A_330] : memref<128x1024xf32, #tpu.memory_space<hbm>> -> memref<4x1024xf32, #tpu.memory_space<hbm>>
      tpu.wait_dma2 semaphore(%run_scoped3A_325 : memref<!tpu.dma_semaphore, #tpu.memory_space<semaphore_mem>>) src(%dma_wait3A_331 : memref<4x1024xf32, #tpu.memory_space<hbm>>) dst(%arg6 : memref<4x1024xf32, #tpu.memory_space<vmem>>)
      tpu.yield
    }) : () -> ()
    %iota3A = tpu.iota {dimensions = array<i32: 0>} : vector<16xi32>
    %get3A = arith.constant 0 : i32
    %get3A_3 = arith.index_cast %get3A : i32 to index
    %get3A_4 = arith.constant 0 : index
    %get3A_5 = tpu.vector_load %arg6[%get3A_3, %get3A_4] {strides = array<i32>} : memref<4x1024xf32, #tpu.memory_space<vmem>>, vector<1x16xf32>,
    %get3A_6 = vector.shape_cast %get3A_5 : vector<1x16xf32> to vector<16xf32>
    %get3A_7 = arith.constant 1 : i32
    %get3A_8 = arith.index_cast %get3A_7 : i32 to index
    %get3A_9 = arith.constant 0 : index
    %get3A_10 = tpu.vector_load %arg6[%get3A_8, %get3A_9] {strides = array<i32>} : memref<4x1024xf32, #tpu.memory_space<vmem>>, vector<1x16xf32>,
    %get3A_11 = vector.shape_cast %get3A_10 : vector<1x16xf32> to vector<16xf32>
    %get3A_12 = arith.constant 2 : i32
    %get3A_13 = arith.index_cast %get3A_12 : i32 to index
    %get3A_14 = arith.constant 0 : index
    %get3A_15 = tpu.vector_load %arg6[%get3A_13, %get3A_14] {strides = array<i32>} : memref<4x1024xf32, #tpu.memory_space<vmem>>, vector<1x16xf32>,
    %get3A_16 = vector.shape_cast %get3A_15 : vector<1x16xf32> to vector<16xf32>
    %get3A_17 = arith.constant 3 : i32
    %get3A_18 = arith.index_cast %get3A_17 : i32 to index
    %get3A_19 = arith.constant 0 : index
    %get3A_20 = tpu.vector_load %arg6[%get3A_18, %get3A_19] {strides = array<i32>} : memref<4x1024xf32, #tpu.memory_space<vmem>>, vector<1x16xf32>,
    %get3A_21 = vector.shape_cast %get3A_20 : vector<1x16xf32> to vector<16xf32>
    %scan3A = arith.constant 1 : i32
    %scan3A_22 = arith.constant 63 : i32
    %scan3A_23 = arith.addi %scan3A, %scan3A_22 : i32
    %scan3A_24 = arith.constant 1 : i32
    %scan3A_25:8 = scf.for %scan3A_325 = %scan3A to %scan3A_23 step %scan3A_24 iter_args(%scan3A_326 = %get3A_6, %scan3A_327 = %iota3A, %scan3A_328 = %get3A_11, %scan3A_329 = %iota3A, %scan3A_330 = %get3A_16, %scan3A_331 = %iota3A, %scan3A_332 = %get3A_21, %scan3A_333 = %iota3A) -> (vector<16xf32>, vector<16xi32>, vector<16xf32>, vector<16xi32>, vector<16xf32>, vector<16xi32>, vector<16xf32>, vector<16xi32>)  : i32 {
      %mul3A_334 = arith.constant 16 : i32
      %mul3A_335 = arith.muli %scan3A_325, %mul3A_334 : i32
      %add3A_336 = vector.broadcast %mul3A_335 : i32 to vector<16xi32>
      %add3A_337 = arith.addi %add3A_336, %iota3A : vector<16xi32>
      %mul3A_338 = arith.constant 16 : i32
      %mul3A_339 = arith.muli %scan3A_325, %mul3A_338 : i32
      %get3A_340 = arith.constant 0 : i32
      %get3A_341 = arith.index_cast %get3A_340 : i32 to index
      %get3A_342 = arith.index_cast %mul3A_339 : i32 to index
      %get3A_343 = tpu.vector_load %arg6[%get3A_341, %get3A_342] {strides = array<i32>} : memref<4x1024xf32, #tpu.memory_space<vmem>>, vector<1x16xf32>,
      %get3A_344 = vector.shape_cast %get3A_343 : vector<1x16xf32> to vector<16xf32>
      %lt3A = arith.cmpf olt, %get3A_344, %scan3A_326 : vector<16xf32>
      %select_n3A_345 = arith.select %lt3A, %get3A_344, %scan3A_326 : vector<16xi1>, vector<16xf32>
      %select_n3A_346 = arith.select %lt3A, %add3A_337, %scan3A_327 : vector<16xi1>, vector<16xi32>
      %mul3A_347 = arith.constant 16 : i32
      %mul3A_348 = arith.muli %scan3A_325, %mul3A_347 : i32
      %get3A_349 = arith.constant 1 : i32
      %get3A_350 = arith.index_cast %get3A_349 : i32 to index
      %get3A_351 = arith.index_cast %mul3A_348 : i32 to index
      %get3A_352 = tpu.vector_load %arg6[%get3A_350, %get3A_351] {strides = array<i32>} : memref<4x1024xf32, #tpu.memory_space<vmem>>, vector<1x16xf32>,
      %get3A_353 = vector.shape_cast %get3A_352 : vector<1x16xf32> to vector<16xf32>
      %lt3A_354 = arith.cmpf olt, %get3A_353, %scan3A_328 : vector<16xf32>
      %select_n3A_355 = arith.select %lt3A_354, %get3A_353, %scan3A_328 : vector<16xi1>, vector<16xf32>
      %select_n3A_356 = arith.select %lt3A_354, %add3A_337, %scan3A_329 : vector<16xi1>, vector<16xi32>
      %mul3A_357 = arith.constant 16 : i32
      %mul3A_358 = arith.muli %scan3A_325, %mul3A_357 : i32
      %get3A_359 = arith.constant 2 : i32
      %get3A_360 = arith.index_cast %get3A_359 : i32 to index
      %get3A_361 = arith.index_cast %mul3A_358 : i32 to index
      %get3A_362 = tpu.vector_load %arg6[%get3A_360, %get3A_361] {strides = array<i32>} : memref<4x1024xf32, #tpu.memory_space<vmem>>, vector<1x16xf32>,
      %get3A_363 = vector.shape_cast %get3A_362 : vector<1x16xf32> to vector<16xf32>
      %lt3A_364 = arith.cmpf olt, %get3A_363, %scan3A_330 : vector<16xf32>
      %select_n3A_365 = arith.select %lt3A_364, %get3A_363, %scan3A_330 : vector<16xi1>, vector<16xf32>
      %select_n3A_366 = arith.select %lt3A_364, %add3A_337, %scan3A_331 : vector<16xi1>, vector<16xi32>
      %mul3A_367 = arith.constant 16 : i32
      %mul3A_368 = arith.muli %scan3A_325, %mul3A_367 : i32
      %get3A_369 = arith.constant 3 : i32
      %get3A_370 = arith.index_cast %get3A_369 : i32 to index
      %get3A_371 = arith.index_cast %mul3A_368 : i32 to index
      %get3A_372 = tpu.vector_load %arg6[%get3A_370, %get3A_371] {strides = array<i32>} : memref<4x1024xf32, #tpu.memory_space<vmem>>, vector<1x16xf32>,
      %get3A_373 = vector.shape_cast %get3A_372 : vector<1x16xf32> to vector<16xf32>
      %lt3A_374 = arith.cmpf olt, %get3A_373, %scan3A_332 : vector<16xf32>
      %select_n3A_375 = arith.select %lt3A_374, %get3A_373, %scan3A_332 : vector<16xi1>, vector<16xf32>
      %select_n3A_376 = arith.select %lt3A_374, %add3A_337, %scan3A_333 : vector<16xi1>, vector<16xi32>
      scf.yield %select_n3A_345, %select_n3A_346, %select_n3A_355, %select_n3A_356, %select_n3A_365, %select_n3A_366, %select_n3A_375, %select_n3A_376 : vector<16xf32>, vector<16xi32>, vector<16xf32>, vector<16xi32>, vector<16xf32>, vector<16xi32>, vector<16xf32>, vector<16xi32>
    }
    %scan3A_26 = arith.constant 63 : i32
    %broadcast_in_dim3A = arith.constant 0 : i32
    %broadcast_in_dim3A_27 = vector.broadcast %broadcast_in_dim3A : i32 to vector<16xi32>
    %xor3A = arith.constant 8 : i32
    %xor3A_28 = vector.broadcast %xor3A : i32 to vector<16xi32>
    %xor3A_29 = arith.xori %iota3A, %xor3A_28 : vector<16xi32>
    %broadcast_in_dim3A_30 = vector.shape_cast %xor3A_29 : vector<16xi32> to vector<16x1xi32>
    %gather3A = vector.shape_cast %broadcast_in_dim3A_30 : vector<16x1xi32> to vector<16xi32>
    %gather3A_31 = tpu.dynamic_gather %scan3A_25#0[%gather3A] in [0] : vector<16xf32>, vector<16xi32> -> vector<16xf32>
    %min3A = arith.minimumf %scan3A_25#0, %gather3A_31 : vector<16xf32>
    %xor3A_32 = arith.constant 4 : i32
    %xor3A_33 = vector.broadcast %xor3A_32 : i32 to vector<16xi32>
    %xor3A_34 = arith.xori %iota3A, %xor3A_33 : vector<16xi32>
    %broadcast_in_dim3A_35 = vector.shape_cast %xor3A_34 : vector<16xi32> to vector<16x1xi32>
    %gather3A_36 = vector.shape_cast %broadcast_in_dim3A_35 : vector<16x1xi32> to vector<16xi32>
    %gather3A_37 = tpu.dynamic_gather %min3A[%gather3A_36] in [0] : vector<16xf32>, vector<16xi32> -> vector<16xf32>
    %min3A_38 = arith.minimumf %min3A, %gather3A_37 : vector<16xf32>
    %xor3A_39 = arith.constant 2 : i32
    %xor3A_40 = vector.broadcast %xor3A_39 : i32 to vector<16xi32>
    %xor3A_41 = arith.xori %iota3A, %xor3A_40 : vector<16xi32>
    %broadcast_in_dim3A_42 = vector.shape_cast %xor3A_41 : vector<16xi32> to vector<16x1xi32>
    %gather3A_43 = vector.shape_cast %broadcast_in_dim3A_42 : vector<16x1xi32> to vector<16xi32>
    %gather3A_44 = tpu.dynamic_gather %min3A_38[%gather3A_43] in [0] : vector<16xf32>, vector<16xi32> -> vector<16xf32>
    %min3A_45 = arith.minimumf %min3A_38, %gather3A_44 : vector<16xf32>
    %xor3A_46 = arith.constant 1 : i32
    %xor3A_47 = vector.broadcast %xor3A_46 : i32 to vector<16xi32>
    %xor3A_48 = arith.xori %iota3A, %xor3A_47 : vector<16xi32>
    %broadcast_in_dim3A_49 = vector.shape_cast %xor3A_48 : vector<16xi32> to vector<16x1xi32>
    %gather3A_50 = vector.shape_cast %broadcast_in_dim3A_49 : vector<16x1xi32> to vector<16xi32>
    %gather3A_51 = tpu.dynamic_gather %min3A_45[%gather3A_50] in [0] : vector<16xf32>, vector<16xi32> -> vector<16xf32>
    %min3A_52 = arith.minimumf %min3A_45, %gather3A_51 : vector<16xf32>
    %eq3A = arith.cmpf oeq, %scan3A_25#0, %min3A_52 : vector<16xf32>
    %jit3A = arith.constant 1073741824 : i32
    %broadcast_in_dim3A_53 = vector.broadcast %jit3A : i32 to vector<16xi32>
    %select_n3A = arith.select %eq3A, %scan3A_25#1, %broadcast_in_dim3A_53 : vector<16xi1>, vector<16xi32>
    %xor3A_54 = arith.constant 8 : i32
    %xor3A_55 = vector.broadcast %xor3A_54 : i32 to vector<16xi32>
    %xor3A_56 = arith.xori %iota3A, %xor3A_55 : vector<16xi32>
    %broadcast_in_dim3A_57 = vector.shape_cast %xor3A_56 : vector<16xi32> to vector<16x1xi32>
    %gather3A_58 = vector.shape_cast %broadcast_in_dim3A_57 : vector<16x1xi32> to vector<16xi32>
    %gather3A_59 = tpu.dynamic_gather %select_n3A[%gather3A_58] in [0] : vector<16xi32>, vector<16xi32> -> vector<16xi32>
    %min3A_60 = arith.minsi %select_n3A, %gather3A_59 : vector<16xi32>
    %xor3A_61 = arith.constant 4 : i32
    %xor3A_62 = vector.broadcast %xor3A_61 : i32 to vector<16xi32>
    %xor3A_63 = arith.xori %iota3A, %xor3A_62 : vector<16xi32>
    %broadcast_in_dim3A_64 = vector.shape_cast %xor3A_63 : vector<16xi32> to vector<16x1xi32>
    %gather3A_65 = vector.shape_cast %broadcast_in_dim3A_64 : vector<16x1xi32> to vector<16xi32>
    %gather3A_66 = tpu.dynamic_gather %min3A_60[%gather3A_65] in [0] : vector<16xi32>, vector<16xi32> -> vector<16xi32>
    %min3A_67 = arith.minsi %min3A_60, %gather3A_66 : vector<16xi32>
    %xor3A_68 = arith.constant 2 : i32
    %xor3A_69 = vector.broadcast %xor3A_68 : i32 to vector<16xi32>
    %xor3A_70 = arith.xori %iota3A, %xor3A_69 : vector<16xi32>
    %broadcast_in_dim3A_71 = vector.shape_cast %xor3A_70 : vector<16xi32> to vector<16x1xi32>
    %gather3A_72 = vector.shape_cast %broadcast_in_dim3A_71 : vector<16x1xi32> to vector<16xi32>
    %gather3A_73 = tpu.dynamic_gather %min3A_67[%gather3A_72] in [0] : vector<16xi32>, vector<16xi32> -> vector<16xi32>
    %min3A_74 = arith.minsi %min3A_67, %gather3A_73 : vector<16xi32>
    %xor3A_75 = arith.constant 1 : i32
    %xor3A_76 = vector.broadcast %xor3A_75 : i32 to vector<16xi32>
    %xor3A_77 = arith.xori %iota3A, %xor3A_76 : vector<16xi32>
    %broadcast_in_dim3A_78 = vector.shape_cast %xor3A_77 : vector<16xi32> to vector<16x1xi32>
    %gather3A_79 = vector.shape_cast %broadcast_in_dim3A_78 : vector<16x1xi32> to vector<16xi32>
    %gather3A_80 = tpu.dynamic_gather %min3A_74[%gather3A_79] in [0] : vector<16xi32>, vector<16xi32> -> vector<16xi32>
    %min3A_81 = arith.minsi %min3A_74, %gather3A_80 : vector<16xi32>
    %eq3A_82 = arith.constant 0 : i32
    %eq3A_83 = vector.broadcast %eq3A_82 : i32 to vector<16xi32>
    %eq3A_84 = arith.cmpi eq, %iota3A, %eq3A_83 : vector<16xi32>
    %select_n3A_85 = arith.select %eq3A_84, %min3A_81, %broadcast_in_dim3A_27 : vector<16xi1>, vector<16xi32>
    %shift_right_arithmetic3A = arith.constant 5 : i32
    %shift_right_arithmetic3A_86 = vector.broadcast %shift_right_arithmetic3A : i32 to vector<16xi32>
    %shift_right_arithmetic3A_87 = arith.shrsi %min3A_81, %shift_right_arithmetic3A_86 : vector<16xi32>
    %and3A = arith.constant 31 : i32
    %and3A_88 = vector.broadcast %and3A : i32 to vector<16xi32>
    %and3A_89 = arith.andi %min3A_81, %and3A_88 : vector<16xi32>
    %xor3A_90 = arith.constant 8 : i32
    %xor3A_91 = vector.broadcast %xor3A_90 : i32 to vector<16xi32>
    %xor3A_92 = arith.xori %iota3A, %xor3A_91 : vector<16xi32>
    %broadcast_in_dim3A_93 = vector.shape_cast %xor3A_92 : vector<16xi32> to vector<16x1xi32>
    %gather3A_94 = vector.shape_cast %broadcast_in_dim3A_93 : vector<16x1xi32> to vector<16xi32>
    %gather3A_95 = tpu.dynamic_gather %scan3A_25#2[%gather3A_94] in [0] : vector<16xf32>, vector<16xi32> -> vector<16xf32>
    %min3A_96 = arith.minimumf %scan3A_25#2, %gather3A_95 : vector<16xf32>
    %xor3A_97 = arith.constant 4 : i32
    %xor3A_98 = vector.broadcast %xor3A_97 : i32 to vector<16xi32>
    %xor3A_99 = arith.xori %iota3A, %xor3A_98 : vector<16xi32>
    %broadcast_in_dim3A_100 = vector.shape_cast %xor3A_99 : vector<16xi32> to vector<16x1xi32>
    %gather3A_101 = vector.shape_cast %broadcast_in_dim3A_100 : vector<16x1xi32> to vector<16xi32>
    %gather3A_102 = tpu.dynamic_gather %min3A_96[%gather3A_101] in [0] : vector<16xf32>, vector<16xi32> -> vector<16xf32>
    %min3A_103 = arith.minimumf %min3A_96, %gather3A_102 : vector<16xf32>
    %xor3A_104 = arith.constant 2 : i32
    %xor3A_105 = vector.broadcast %xor3A_104 : i32 to vector<16xi32>
    %xor3A_106 = arith.xori %iota3A, %xor3A_105 : vector<16xi32>
    %broadcast_in_dim3A_107 = vector.shape_cast %xor3A_106 : vector<16xi32> to vector<16x1xi32>
    %gather3A_108 = vector.shape_cast %broadcast_in_dim3A_107 : vector<16x1xi32> to vector<16xi32>
    %gather3A_109 = tpu.dynamic_gather %min3A_103[%gather3A_108] in [0] : vector<16xf32>, vector<16xi32> -> vector<16xf32>
    %min3A_110 = arith.minimumf %min3A_103, %gather3A_109 : vector<16xf32>
    %xor3A_111 = arith.constant 1 : i32
    %xor3A_112 = vector.broadcast %xor3A_111 : i32 to vector<16xi32>
    %xor3A_113 = arith.xori %iota3A, %xor3A_112 : vector<16xi32>
    %broadcast_in_dim3A_114 = vector.shape_cast %xor3A_113 : vector<16xi32> to vector<16x1xi32>
    %gather3A_115 = vector.shape_cast %broadcast_in_dim3A_114 : vector<16x1xi32> to vector<16xi32>
    %gather3A_116 = tpu.dynamic_gather %min3A_110[%gather3A_115] in [0] : vector<16xf32>, vector<16xi32> -> vector<16xf32>
    %min3A_117 = arith.minimumf %min3A_110, %gather3A_116 : vector<16xf32>
    %eq3A_118 = arith.cmpf oeq, %scan3A_25#2, %min3A_117 : vector<16xf32>
    %jit3A_119 = arith.constant 1073741824 : i32
    %broadcast_in_dim3A_120 = vector.broadcast %jit3A_119 : i32 to vector<16xi32>
    %select_n3A_121 = arith.select %eq3A_118, %scan3A_25#3, %broadcast_in_dim3A_120 : vector<16xi1>, vector<16xi32>
    %xor3A_122 = arith.constant 8 : i32
    %xor3A_123 = vector.broadcast %xor3A_122 : i32 to vector<16xi32>
    %xor3A_124 = arith.xori %iota3A, %xor3A_123 : vector<16xi32>
    %broadcast_in_dim3A_125 = vector.shape_cast %xor3A_124 : vector<16xi32> to vector<16x1xi32>
    %gather3A_126 = vector.shape_cast %broadcast_in_dim3A_125 : vector<16x1xi32> to vector<16xi32>
    %gather3A_127 = tpu.dynamic_gather %select_n3A_121[%gather3A_126] in [0] : vector<16xi32>, vector<16xi32> -> vector<16xi32>
    %min3A_128 = arith.minsi %select_n3A_121, %gather3A_127 : vector<16xi32>
    %xor3A_129 = arith.constant 4 : i32
    %xor3A_130 = vector.broadcast %xor3A_129 : i32 to vector<16xi32>
    %xor3A_131 = arith.xori %iota3A, %xor3A_130 : vector<16xi32>
    %broadcast_in_dim3A_132 = vector.shape_cast %xor3A_131 : vector<16xi32> to vector<16x1xi32>
    %gather3A_133 = vector.shape_cast %broadcast_in_dim3A_132 : vector<16x1xi32> to vector<16xi32>
    %gather3A_134 = tpu.dynamic_gather %min3A_128[%gather3A_133] in [0] : vector<16xi32>, vector<16xi32> -> vector<16xi32>
    %min3A_135 = arith.minsi %min3A_128, %gather3A_134 : vector<16xi32>
    %xor3A_136 = arith.constant 2 : i32
    %xor3A_137 = vector.broadcast %xor3A_136 : i32 to vector<16xi32>
    %xor3A_138 = arith.xori %iota3A, %xor3A_137 : vector<16xi32>
    %broadcast_in_dim3A_139 = vector.shape_cast %xor3A_138 : vector<16xi32> to vector<16x1xi32>
    %gather3A_140 = vector.shape_cast %broadcast_in_dim3A_139 : vector<16x1xi32> to vector<16xi32>
    %gather3A_141 = tpu.dynamic_gather %min3A_135[%gather3A_140] in [0] : vector<16xi32>, vector<16xi32> -> vector<16xi32>
    %min3A_142 = arith.minsi %min3A_135, %gather3A_141 : vector<16xi32>
    %xor3A_143 = arith.constant 1 : i32
    %xor3A_144 = vector.broadcast %xor3A_143 : i32 to vector<16xi32>
    %xor3A_145 = arith.xori %iota3A, %xor3A_144 : vector<16xi32>
    %broadcast_in_dim3A_146 = vector.shape_cast %xor3A_145 : vector<16xi32> to vector<16x1xi32>
    %gather3A_147 = vector.shape_cast %broadcast_in_dim3A_146 : vector<16x1xi32> to vector<16xi32>
    %gather3A_148 = tpu.dynamic_gather %min3A_142[%gather3A_147] in [0] : vector<16xi32>, vector<16xi32> -> vector<16xi32>
    %min3A_149 = arith.minsi %min3A_142, %gather3A_148 : vector<16xi32>
    %eq3A_150 = arith.constant 1 : i32
    %eq3A_151 = vector.broadcast %eq3A_150 : i32 to vector<16xi32>
    %eq3A_152 = arith.cmpi eq, %iota3A, %eq3A_151 : vector<16xi32>
    %select_n3A_153 = arith.select %eq3A_152, %min3A_149, %select_n3A_85 : vector<16xi1>, vector<16xi32>
    %shift_right_arithmetic3A_154 = arith.constant 5 : i32
    %shift_right_arithmetic3A_155 = vector.broadcast %shift_right_arithmetic3A_154 : i32 to vector<16xi32>
    %shift_right_arithmetic3A_156 = arith.shrsi %min3A_149, %shift_right_arithmetic3A_155 : vector<16xi32>
    %and3A_157 = arith.constant 31 : i32
    %and3A_158 = vector.broadcast %and3A_157 : i32 to vector<16xi32>
    %and3A_159 = arith.andi %min3A_149, %and3A_158 : vector<16xi32>
    %xor3A_160 = arith.constant 8 : i32
    %xor3A_161 = vector.broadcast %xor3A_160 : i32 to vector<16xi32>
    %xor3A_162 = arith.xori %iota3A, %xor3A_161 : vector<16xi32>
    %broadcast_in_dim3A_163 = vector.shape_cast %xor3A_162 : vector<16xi32> to vector<16x1xi32>
    %gather3A_164 = vector.shape_cast %broadcast_in_dim3A_163 : vector<16x1xi32> to vector<16xi32>
    %gather3A_165 = tpu.dynamic_gather %scan3A_25#4[%gather3A_164] in [0] : vector<16xf32>, vector<16xi32> -> vector<16xf32>
    %min3A_166 = arith.minimumf %scan3A_25#4, %gather3A_165 : vector<16xf32>
    %xor3A_167 = arith.constant 4 : i32
    %xor3A_168 = vector.broadcast %xor3A_167 : i32 to vector<16xi32>
    %xor3A_169 = arith.xori %iota3A, %xor3A_168 : vector<16xi32>
    %broadcast_in_dim3A_170 = vector.shape_cast %xor3A_169 : vector<16xi32> to vector<16x1xi32>
    %gather3A_171 = vector.shape_cast %broadcast_in_dim3A_170 : vector<16x1xi32> to vector<16xi32>
    %gather3A_172 = tpu.dynamic_gather %min3A_166[%gather3A_171] in [0] : vector<16xf32>, vector<16xi32> -> vector<16xf32>
    %min3A_173 = arith.minimumf %min3A_166, %gather3A_172 : vector<16xf32>
    %xor3A_174 = arith.constant 2 : i32
    %xor3A_175 = vector.broadcast %xor3A_174 : i32 to vector<16xi32>
    %xor3A_176 = arith.xori %iota3A, %xor3A_175 : vector<16xi32>
    %broadcast_in_dim3A_177 = vector.shape_cast %xor3A_176 : vector<16xi32> to vector<16x1xi32>
    %gather3A_178 = vector.shape_cast %broadcast_in_dim3A_177 : vector<16x1xi32> to vector<16xi32>
    %gather3A_179 = tpu.dynamic_gather %min3A_173[%gather3A_178] in [0] : vector<16xf32>, vector<16xi32> -> vector<16xf32>
    %min3A_180 = arith.minimumf %min3A_173, %gather3A_179 : vector<16xf32>
    %xor3A_181 = arith.constant 1 : i32
    %xor3A_182 = vector.broadcast %xor3A_181 : i32 to vector<16xi32>
    %xor3A_183 = arith.xori %iota3A, %xor3A_182 : vector<16xi32>
    %broadcast_in_dim3A_184 = vector.shape_cast %xor3A_183 : vector<16xi32> to vector<16x1xi32>
    %gather3A_185 = vector.shape_cast %broadcast_in_dim3A_184 : vector<16x1xi32> to vector<16xi32>
    %gather3A_186 = tpu.dynamic_gather %min3A_180[%gather3A_185] in [0] : vector<16xf32>, vector<16xi32> -> vector<16xf32>
    %min3A_187 = arith.minimumf %min3A_180, %gather3A_186 : vector<16xf32>
    %eq3A_188 = arith.cmpf oeq, %scan3A_25#4, %min3A_187 : vector<16xf32>
    %jit3A_189 = arith.constant 1073741824 : i32
    %broadcast_in_dim3A_190 = vector.broadcast %jit3A_189 : i32 to vector<16xi32>
    %select_n3A_191 = arith.select %eq3A_188, %scan3A_25#5, %broadcast_in_dim3A_190 : vector<16xi1>, vector<16xi32>
    %xor3A_192 = arith.constant 8 : i32
    %xor3A_193 = vector.broadcast %xor3A_192 : i32 to vector<16xi32>
    %xor3A_194 = arith.xori %iota3A, %xor3A_193 : vector<16xi32>
    %broadcast_in_dim3A_195 = vector.shape_cast %xor3A_194 : vector<16xi32> to vector<16x1xi32>
    %gather3A_196 = vector.shape_cast %broadcast_in_dim3A_195 : vector<16x1xi32> to vector<16xi32>
    %gather3A_197 = tpu.dynamic_gather %select_n3A_191[%gather3A_196] in [0] : vector<16xi32>, vector<16xi32> -> vector<16xi32>
    %min3A_198 = arith.minsi %select_n3A_191, %gather3A_197 : vector<16xi32>
    %xor3A_199 = arith.constant 4 : i32
    %xor3A_200 = vector.broadcast %xor3A_199 : i32 to vector<16xi32>
    %xor3A_201 = arith.xori %iota3A, %xor3A_200 : vector<16xi32>
    %broadcast_in_dim3A_202 = vector.shape_cast %xor3A_201 : vector<16xi32> to vector<16x1xi32>
    %gather3A_203 = vector.shape_cast %broadcast_in_dim3A_202 : vector<16x1xi32> to vector<16xi32>
    %gather3A_204 = tpu.dynamic_gather %min3A_198[%gather3A_203] in [0] : vector<16xi32>, vector<16xi32> -> vector<16xi32>
    %min3A_205 = arith.minsi %min3A_198, %gather3A_204 : vector<16xi32>
    %xor3A_206 = arith.constant 2 : i32
    %xor3A_207 = vector.broadcast %xor3A_206 : i32 to vector<16xi32>
    %xor3A_208 = arith.xori %iota3A, %xor3A_207 : vector<16xi32>
    %broadcast_in_dim3A_209 = vector.shape_cast %xor3A_208 : vector<16xi32> to vector<16x1xi32>
    %gather3A_210 = vector.shape_cast %broadcast_in_dim3A_209 : vector<16x1xi32> to vector<16xi32>
    %gather3A_211 = tpu.dynamic_gather %min3A_205[%gather3A_210] in [0] : vector<16xi32>, vector<16xi32> -> vector<16xi32>
    %min3A_212 = arith.minsi %min3A_205, %gather3A_211 : vector<16xi32>
    %xor3A_213 = arith.constant 1 : i32
    %xor3A_214 = vector.broadcast %xor3A_213 : i32 to vector<16xi32>
    %xor3A_215 = arith.xori %iota3A, %xor3A_214 : vector<16xi32>
    %broadcast_in_dim3A_216 = vector.shape_cast %xor3A_215 : vector<16xi32> to vector<16x1xi32>
    %gather3A_217 = vector.shape_cast %broadcast_in_dim3A_216 : vector<16x1xi32> to vector<16xi32>
    %gather3A_218 = tpu.dynamic_gather %min3A_212[%gather3A_217] in [0] : vector<16xi32>, vector<16xi32> -> vector<16xi32>
    %min3A_219 = arith.minsi %min3A_212, %gather3A_218 : vector<16xi32>
    %eq3A_220 = arith.constant 2 : i32
    %eq3A_221 = vector.broadcast %eq3A_220 : i32 to vector<16xi32>
    %eq3A_222 = arith.cmpi eq, %iota3A, %eq3A_221 : vector<16xi32>
    %select_n3A_223 = arith.select %eq3A_222, %min3A_219, %select_n3A_153 : vector<16xi1>, vector<16xi32>
    %shift_right_arithmetic3A_224 = arith.constant 5 : i32
    %shift_right_arithmetic3A_225 = vector.broadcast %shift_right_arithmetic3A_224 : i32 to vector<16xi32>
    %shift_right_arithmetic3A_226 = arith.shrsi %min3A_219, %shift_right_arithmetic3A_225 : vector<16xi32>
    %and3A_227 = arith.constant 31 : i32
    %and3A_228 = vector.broadcast %and3A_227 : i32 to vector<16xi32>
    %and3A_229 = arith.andi %min3A_219, %and3A_228 : vector<16xi32>
    %xor3A_230 = arith.constant 8 : i32
    %xor3A_231 = vector.broadcast %xor3A_230 : i32 to vector<16xi32>
    %xor3A_232 = arith.xori %iota3A, %xor3A_231 : vector<16xi32>
    %broadcast_in_dim3A_233 = vector.shape_cast %xor3A_232 : vector<16xi32> to vector<16x1xi32>
    %gather3A_234 = vector.shape_cast %broadcast_in_dim3A_233 : vector<16x1xi32> to vector<16xi32>
    %gather3A_235 = tpu.dynamic_gather %scan3A_25#6[%gather3A_234] in [0] : vector<16xf32>, vector<16xi32> -> vector<16xf32>
    %min3A_236 = arith.minimumf %scan3A_25#6, %gather3A_235 : vector<16xf32>
    %xor3A_237 = arith.constant 4 : i32
    %xor3A_238 = vector.broadcast %xor3A_237 : i32 to vector<16xi32>
    %xor3A_239 = arith.xori %iota3A, %xor3A_238 : vector<16xi32>
    %broadcast_in_dim3A_240 = vector.shape_cast %xor3A_239 : vector<16xi32> to vector<16x1xi32>
    %gather3A_241 = vector.shape_cast %broadcast_in_dim3A_240 : vector<16x1xi32> to vector<16xi32>
    %gather3A_242 = tpu.dynamic_gather %min3A_236[%gather3A_241] in [0] : vector<16xf32>, vector<16xi32> -> vector<16xf32>
    %min3A_243 = arith.minimumf %min3A_236, %gather3A_242 : vector<16xf32>
    %xor3A_244 = arith.constant 2 : i32
    %xor3A_245 = vector.broadcast %xor3A_244 : i32 to vector<16xi32>
    %xor3A_246 = arith.xori %iota3A, %xor3A_245 : vector<16xi32>
    %broadcast_in_dim3A_247 = vector.shape_cast %xor3A_246 : vector<16xi32> to vector<16x1xi32>
    %gather3A_248 = vector.shape_cast %broadcast_in_dim3A_247 : vector<16x1xi32> to vector<16xi32>
    %gather3A_249 = tpu.dynamic_gather %min3A_243[%gather3A_248] in [0] : vector<16xf32>, vector<16xi32> -> vector<16xf32>
    %min3A_250 = arith.minimumf %min3A_243, %gather3A_249 : vector<16xf32>
    %xor3A_251 = arith.constant 1 : i32
    %xor3A_252 = vector.broadcast %xor3A_251 : i32 to vector<16xi32>
    %xor3A_253 = arith.xori %iota3A, %xor3A_252 : vector<16xi32>
    %broadcast_in_dim3A_254 = vector.shape_cast %xor3A_253 : vector<16xi32> to vector<16x1xi32>
    %gather3A_255 = vector.shape_cast %broadcast_in_dim3A_254 : vector<16x1xi32> to vector<16xi32>
    %gather3A_256 = tpu.dynamic_gather %min3A_250[%gather3A_255] in [0] : vector<16xf32>, vector<16xi32> -> vector<16xf32>
    %min3A_257 = arith.minimumf %min3A_250, %gather3A_256 : vector<16xf32>
    %eq3A_258 = arith.cmpf oeq, %scan3A_25#6, %min3A_257 : vector<16xf32>
    %jit3A_259 = arith.constant 1073741824 : i32
    %broadcast_in_dim3A_260 = vector.broadcast %jit3A_259 : i32 to vector<16xi32>
    %select_n3A_261 = arith.select %eq3A_258, %scan3A_25#7, %broadcast_in_dim3A_260 : vector<16xi1>, vector<16xi32>
    %xor3A_262 = arith.constant 8 : i32
    %xor3A_263 = vector.broadcast %xor3A_262 : i32 to vector<16xi32>
    %xor3A_264 = arith.xori %iota3A, %xor3A_263 : vector<16xi32>
    %broadcast_in_dim3A_265 = vector.shape_cast %xor3A_264 : vector<16xi32> to vector<16x1xi32>
    %gather3A_266 = vector.shape_cast %broadcast_in_dim3A_265 : vector<16x1xi32> to vector<16xi32>
    %gather3A_267 = tpu.dynamic_gather %select_n3A_261[%gather3A_266] in [0] : vector<16xi32>, vector<16xi32> -> vector<16xi32>
    %min3A_268 = arith.minsi %select_n3A_261, %gather3A_267 : vector<16xi32>
    %xor3A_269 = arith.constant 4 : i32
    %xor3A_270 = vector.broadcast %xor3A_269 : i32 to vector<16xi32>
    %xor3A_271 = arith.xori %iota3A, %xor3A_270 : vector<16xi32>
    %broadcast_in_dim3A_272 = vector.shape_cast %xor3A_271 : vector<16xi32> to vector<16x1xi32>
    %gather3A_273 = vector.shape_cast %broadcast_in_dim3A_272 : vector<16x1xi32> to vector<16xi32>
    %gather3A_274 = tpu.dynamic_gather %min3A_268[%gather3A_273] in [0] : vector<16xi32>, vector<16xi32> -> vector<16xi32>
    %min3A_275 = arith.minsi %min3A_268, %gather3A_274 : vector<16xi32>
    %xor3A_276 = arith.constant 2 : i32
    %xor3A_277 = vector.broadcast %xor3A_276 : i32 to vector<16xi32>
    %xor3A_278 = arith.xori %iota3A, %xor3A_277 : vector<16xi32>
    %broadcast_in_dim3A_279 = vector.shape_cast %xor3A_278 : vector<16xi32> to vector<16x1xi32>
    %gather3A_280 = vector.shape_cast %broadcast_in_dim3A_279 : vector<16x1xi32> to vector<16xi32>
    %gather3A_281 = tpu.dynamic_gather %min3A_275[%gather3A_280] in [0] : vector<16xi32>, vector<16xi32> -> vector<16xi32>
    %min3A_282 = arith.minsi %min3A_275, %gather3A_281 : vector<16xi32>
    %xor3A_283 = arith.constant 1 : i32
    %xor3A_284 = vector.broadcast %xor3A_283 : i32 to vector<16xi32>
    %xor3A_285 = arith.xori %iota3A, %xor3A_284 : vector<16xi32>
    %broadcast_in_dim3A_286 = vector.shape_cast %xor3A_285 : vector<16xi32> to vector<16x1xi32>
    %gather3A_287 = vector.shape_cast %broadcast_in_dim3A_286 : vector<16x1xi32> to vector<16xi32>
    %gather3A_288 = tpu.dynamic_gather %min3A_282[%gather3A_287] in [0] : vector<16xi32>, vector<16xi32> -> vector<16xi32>
    %min3A_289 = arith.minsi %min3A_282, %gather3A_288 : vector<16xi32>
    %eq3A_290 = arith.constant 3 : i32
    %eq3A_291 = vector.broadcast %eq3A_290 : i32 to vector<16xi32>
    %eq3A_292 = arith.cmpi eq, %iota3A, %eq3A_291 : vector<16xi32>
    %select_n3A_293 = arith.select %eq3A_292, %min3A_289, %select_n3A_223 : vector<16xi1>, vector<16xi32>
    %shift_right_arithmetic3A_294 = arith.constant 5 : i32
    %shift_right_arithmetic3A_295 = vector.broadcast %shift_right_arithmetic3A_294 : i32 to vector<16xi32>
    %shift_right_arithmetic3A_296 = arith.shrsi %min3A_289, %shift_right_arithmetic3A_295 : vector<16xi32>
    %and3A_297 = arith.constant 31 : i32
    %and3A_298 = vector.broadcast %and3A_297 : i32 to vector<16xi32>
    %and3A_299 = arith.andi %min3A_289, %and3A_298 : vector<16xi32>
    %broadcast_in_dim3A_300 = arith.constant 0.000000e+00 : f32
    %broadcast_in_dim3A_301 = vector.broadcast %broadcast_in_dim3A_300 : f32 to vector<16xf32>
    %scan3A_302 = arith.constant 0 : i32
    %scan3A_303 = arith.constant 64 : i32
    %scan3A_304 = arith.addi %scan3A_302, %scan3A_303 : i32
    %scan3A_305 = arith.constant 1 : i32
    %scan3A_306:4 = scf.for %scan3A_325 = %scan3A_302 to %scan3A_304 step %scan3A_305 iter_args(%scan3A_326 = %broadcast_in_dim3A_301, %scan3A_327 = %broadcast_in_dim3A_301, %scan3A_328 = %broadcast_in_dim3A_301, %scan3A_329 = %broadcast_in_dim3A_301) -> (vector<16xf32>, vector<16xf32>, vector<16xf32>, vector<16xf32>)  : i32 {
      %mul3A_330 = arith.constant 16 : i32
      %mul3A_331 = arith.muli %scan3A_325, %mul3A_330 : i32
      %add3A_332 = vector.broadcast %mul3A_331 : i32 to vector<16xi32>
      %add3A_333 = arith.addi %add3A_332, %iota3A : vector<16xi32>
      %shift_right_arithmetic3A_334 = arith.constant 5 : i32
      %shift_right_arithmetic3A_335 = vector.broadcast %shift_right_arithmetic3A_334 : i32 to vector<16xi32>
      %shift_right_arithmetic3A_336 = arith.shrsi %add3A_333, %shift_right_arithmetic3A_335 : vector<16xi32>
      %and3A_337 = arith.constant 31 : i32
      %and3A_338 = vector.broadcast %and3A_337 : i32 to vector<16xi32>
      %and3A_339 = arith.andi %add3A_333, %and3A_338 : vector<16xi32>
      %mul3A_340 = arith.constant 16 : i32
      %mul3A_341 = arith.muli %scan3A_325, %mul3A_340 : i32
      %get3A_342 = arith.constant 0 : i32
      %get3A_343 = arith.index_cast %get3A_342 : i32 to index
      %get3A_344 = arith.index_cast %mul3A_341 : i32 to index
      %get3A_345 = tpu.vector_load %arg6[%get3A_343, %get3A_344] {strides = array<i32>} : memref<4x1024xf32, #tpu.memory_space<vmem>>, vector<1x16xf32>,
      %get3A_346 = vector.shape_cast %get3A_345 : vector<1x16xf32> to vector<16xf32>
      %sub3A = arith.subi %shift_right_arithmetic3A_336, %shift_right_arithmetic3A_87 : vector<16xi32>
      %sub3A_347 = arith.subi %and3A_339, %and3A_89 : vector<16xi32>
      %mul3A_348 = arith.muli %sub3A, %sub3A : vector<16xi32>
      %mul3A_349 = arith.muli %sub3A_347, %sub3A_347 : vector<16xi32>
      %add3A_350 = arith.addi %mul3A_348, %mul3A_349 : vector<16xi32>
      %convert_element_type3A_351 = arith.sitofp %add3A_350 : vector<16xi32> to vector<16xf32>
      %mul3A_352 = arith.constant -0.018879002 : f32
      %mul3A_353 = vector.broadcast %mul3A_352 : f32 to vector<16xf32>
      %mul3A_354 = arith.mulf %convert_element_type3A_351, %mul3A_353 : vector<16xf32>
      %exp3A = math.exp %mul3A_354 : vector<16xf32>
      %lt3A = arith.constant 1.000000e-03 : f32
      %lt3A_355 = vector.broadcast %lt3A : f32 to vector<16xf32>
      %lt3A_356 = arith.cmpf olt, %exp3A, %lt3A_355 : vector<16xf32>
      %jit3A_357 = arith.constant 0.000000e+00 : f32
      %broadcast_in_dim3A_358 = vector.broadcast %jit3A_357 : f32 to vector<16xf32>
      %select_n3A_359 = arith.select %lt3A_356, %broadcast_in_dim3A_358, %exp3A : vector<16xi1>, vector<16xf32>
      %mul3A_360 = arith.mulf %select_n3A_359, %select_n3A_359 : vector<16xf32>
      %mul3A_361 = arith.mulf %mul3A_360, %get3A_346 : vector<16xf32>
      %add3A_362 = arith.addf %scan3A_326, %mul3A_361 : vector<16xf32>
      %mul3A_363 = arith.constant 16 : i32
      %mul3A_364 = arith.muli %scan3A_325, %mul3A_363 : i32
      %get3A_365 = arith.constant 1 : i32
      %get3A_366 = arith.index_cast %get3A_365 : i32 to index
      %get3A_367 = arith.index_cast %mul3A_364 : i32 to index
      %get3A_368 = tpu.vector_load %arg6[%get3A_366, %get3A_367] {strides = array<i32>} : memref<4x1024xf32, #tpu.memory_space<vmem>>, vector<1x16xf32>,
      %get3A_369 = vector.shape_cast %get3A_368 : vector<1x16xf32> to vector<16xf32>
      %sub3A_370 = arith.subi %shift_right_arithmetic3A_336, %shift_right_arithmetic3A_156 : vector<16xi32>
      %sub3A_371 = arith.subi %and3A_339, %and3A_159 : vector<16xi32>
      %mul3A_372 = arith.muli %sub3A_370, %sub3A_370 : vector<16xi32>
      %mul3A_373 = arith.muli %sub3A_371, %sub3A_371 : vector<16xi32>
      %add3A_374 = arith.addi %mul3A_372, %mul3A_373 : vector<16xi32>
      %convert_element_type3A_375 = arith.sitofp %add3A_374 : vector<16xi32> to vector<16xf32>
      %mul3A_376 = arith.constant -0.018879002 : f32
      %mul3A_377 = vector.broadcast %mul3A_376 : f32 to vector<16xf32>
      %mul3A_378 = arith.mulf %convert_element_type3A_375, %mul3A_377 : vector<16xf32>
      %exp3A_379 = math.exp %mul3A_378 : vector<16xf32>
      %lt3A_380 = arith.constant 1.000000e-03 : f32
      %lt3A_381 = vector.broadcast %lt3A_380 : f32 to vector<16xf32>
      %lt3A_382 = arith.cmpf olt, %exp3A_379, %lt3A_381 : vector<16xf32>
      %jit3A_383 = arith.constant 0.000000e+00 : f32
      %broadcast_in_dim3A_384 = vector.broadcast %jit3A_383 : f32 to vector<16xf32>
      %select_n3A_385 = arith.select %lt3A_382, %broadcast_in_dim3A_384, %exp3A_379 : vector<16xi1>, vector<16xf32>
      %mul3A_386 = arith.mulf %select_n3A_385, %select_n3A_385 : vector<16xf32>
      %mul3A_387 = arith.mulf %mul3A_386, %get3A_369 : vector<16xf32>
      %add3A_388 = arith.addf %scan3A_327, %mul3A_387 : vector<16xf32>
      %mul3A_389 = arith.constant 16 : i32
      %mul3A_390 = arith.muli %scan3A_325, %mul3A_389 : i32
      %get3A_391 = arith.constant 2 : i32
      %get3A_392 = arith.index_cast %get3A_391 : i32 to index
      %get3A_393 = arith.index_cast %mul3A_390 : i32 to index
      %get3A_394 = tpu.vector_load %arg6[%get3A_392, %get3A_393] {strides = array<i32>} : memref<4x1024xf32, #tpu.memory_space<vmem>>, vector<1x16xf32>,
      %get3A_395 = vector.shape_cast %get3A_394 : vector<1x16xf32> to vector<16xf32>
      %sub3A_396 = arith.subi %shift_right_arithmetic3A_336, %shift_right_arithmetic3A_226 : vector<16xi32>
      %sub3A_397 = arith.subi %and3A_339, %and3A_229 : vector<16xi32>
      %mul3A_398 = arith.muli %sub3A_396, %sub3A_396 : vector<16xi32>
      %mul3A_399 = arith.muli %sub3A_397, %sub3A_397 : vector<16xi32>
      %add3A_400 = arith.addi %mul3A_398, %mul3A_399 : vector<16xi32>
      %convert_element_type3A_401 = arith.sitofp %add3A_400 : vector<16xi32> to vector<16xf32>
      %mul3A_402 = arith.constant -0.018879002 : f32
      %mul3A_403 = vector.broadcast %mul3A_402 : f32 to vector<16xf32>
      %mul3A_404 = arith.mulf %convert_element_type3A_401, %mul3A_403 : vector<16xf32>
      %exp3A_405 = math.exp %mul3A_404 : vector<16xf32>
      %lt3A_406 = arith.constant 1.000000e-03 : f32
      %lt3A_407 = vector.broadcast %lt3A_406 : f32 to vector<16xf32>
      %lt3A_408 = arith.cmpf olt, %exp3A_405, %lt3A_407 : vector<16xf32>
      %jit3A_409 = arith.constant 0.000000e+00 : f32
      %broadcast_in_dim3A_410 = vector.broadcast %jit3A_409 : f32 to vector<16xf32>
      %select_n3A_411 = arith.select %lt3A_408, %broadcast_in_dim3A_410, %exp3A_405 : vector<16xi1>, vector<16xf32>
      %mul3A_412 = arith.mulf %select_n3A_411, %select_n3A_411 : vector<16xf32>
      %mul3A_413 = arith.mulf %mul3A_412, %get3A_395 : vector<16xf32>
      %add3A_414 = arith.addf %scan3A_328, %mul3A_413 : vector<16xf32>
      %mul3A_415 = arith.constant 16 : i32
      %mul3A_416 = arith.muli %scan3A_325, %mul3A_415 : i32
      %get3A_417 = arith.constant 3 : i32
      %get3A_418 = arith.index_cast %get3A_417 : i32 to index
      %get3A_419 = arith.index_cast %mul3A_416 : i32 to index
      %get3A_420 = tpu.vector_load %arg6[%get3A_418, %get3A_419] {strides = array<i32>} : memref<4x1024xf32, #tpu.memory_space<vmem>>, vector<1x16xf32>,
      %get3A_421 = vector.shape_cast %get3A_420 : vector<1x16xf32> to vector<16xf32>
      %sub3A_422 = arith.subi %shift_right_arithmetic3A_336, %shift_right_arithmetic3A_296 : vector<16xi32>
      %sub3A_423 = arith.subi %and3A_339, %and3A_299 : vector<16xi32>
      %mul3A_424 = arith.muli %sub3A_422, %sub3A_422 : vector<16xi32>
      %mul3A_425 = arith.muli %sub3A_423, %sub3A_423 : vector<16xi32>
      %add3A_426 = arith.addi %mul3A_424, %mul3A_425 : vector<16xi32>
      %convert_element_type3A_427 = arith.sitofp %add3A_426 : vector<16xi32> to vector<16xf32>
      %mul3A_428 = arith.constant -0.018879002 : f32
      %mul3A_429 = vector.broadcast %mul3A_428 : f32 to vector<16xf32>
      %mul3A_430 = arith.mulf %convert_element_type3A_427, %mul3A_429 : vector<16xf32>
      %exp3A_431 = math.exp %mul3A_430 : vector<16xf32>
      %lt3A_432 = arith.constant 1.000000e-03 : f32
      %lt3A_433 = vector.broadcast %lt3A_432 : f32 to vector<16xf32>
      %lt3A_434 = arith.cmpf olt, %exp3A_431, %lt3A_433 : vector<16xf32>
      %jit3A_435 = arith.constant 0.000000e+00 : f32
      %broadcast_in_dim3A_436 = vector.broadcast %jit3A_435 : f32 to vector<16xf32>
      %select_n3A_437 = arith.select %lt3A_434, %broadcast_in_dim3A_436, %exp3A_431 : vector<16xi1>, vector<16xf32>
      %mul3A_438 = arith.mulf %select_n3A_437, %select_n3A_437 : vector<16xf32>
      %mul3A_439 = arith.mulf %mul3A_438, %get3A_421 : vector<16xf32>
      %add3A_440 = arith.addf %scan3A_329, %mul3A_439 : vector<16xf32>
      scf.yield %add3A_362, %add3A_388, %add3A_414, %add3A_440 : vector<16xf32>, vector<16xf32>, vector<16xf32>, vector<16xf32>
    }
    %scan3A_307 = arith.constant 64 : i32
    %add3A_308 = arith.addf %scan3A_306#0, %scan3A_306#1 : vector<16xf32>
    %add3A_309 = arith.addf %add3A_308, %scan3A_306#2 : vector<16xf32>
    %add3A_310 = arith.addf %add3A_309, %scan3A_306#3 : vector<16xf32>
    %swap3A = arith.constant 0 : i32
    %swap3A_311 = arith.index_cast %swap3A : i32 to index
    %swap3A_312 = arith.constant 0 : index
    %swap3A_313 = tpu.vector_load %arg7[%swap3A_311, %swap3A_312] {strides = array<i32>} : memref<4x32xi32, #tpu.memory_space<vmem>>, vector<1x16xi32>,
    %swap3A_314 = vector.shape_cast %swap3A_313 : vector<1x16xi32> to vector<16xi32>
    %swap3A_315 = vector.shape_cast %select_n3A_293 : vector<16xi32> to vector<1x16xi32>
    tpu.vector_store %arg7[%swap3A_311, %swap3A_312], %swap3A_315 {strides = array<i32>} : memref<4x32xi32, #tpu.memory_space<vmem>>, vector<1x16xi32>,
    %bitcast_convert_type3A = tpu.bitcast %add3A_310 : vector<16xf32> -> vector<16xi32>
    %swap3A_316 = arith.constant 0 : i32
    %swap3A_317 = arith.index_cast %swap3A_316 : i32 to index
    %swap3A_318 = arith.constant 16 : index
    %swap3A_319 = tpu.vector_load %arg7[%swap3A_317, %swap3A_318] {strides = array<i32>} : memref<4x32xi32, #tpu.memory_space<vmem>>, vector<1x16xi32>,
    %swap3A_320 = vector.shape_cast %swap3A_319 : vector<1x16xi32> to vector<16xi32>
    %swap3A_321 = vector.shape_cast %bitcast_convert_type3A : vector<16xi32> to vector<1x16xi32>
    tpu.vector_store %arg7[%swap3A_317, %swap3A_318], %swap3A_321 {strides = array<i32>} : memref<4x32xi32, #tpu.memory_space<vmem>>, vector<1x16xi32>,
    %run_scoped3A = arith.constant 0 : i32
    "tpu.region"() ({
      %run_scoped3A_325 = tpu.sem_alloc : memref<!tpu.dma_semaphore, #tpu.memory_space<semaphore_mem>>
      %dma_start3A = arith.constant 0 : i32
      %dma_start3A_326 = tpu.memref_slice %arg7[%run_scoped3A, %dma_start3A] : memref<4x32xi32, #tpu.memory_space<vmem>> -> memref<1x32xi32, #tpu.memory_space<vmem>>
      %dma_start3A_327 = tpu.memref_squeeze %dma_start3A_326 : memref<1x32xi32, #tpu.memory_space<vmem>> -> memref<32xi32, #tpu.memory_space<vmem>>
      %dma_start3A_328 = arith.constant 0 : i32
      %dma_start3A_329 = tpu.memref_slice %arg3[%add3A, %dma_start3A_328] : memref<32x32xi32, #tpu.memory_space<hbm>> -> memref<1x32xi32, #tpu.memory_space<hbm>>
      %dma_start3A_330 = tpu.memref_squeeze %dma_start3A_329 : memref<1x32xi32, #tpu.memory_space<hbm>> -> memref<32xi32, #tpu.memory_space<hbm>>
      %dma_start3A_331 = arith.constant 0 : i32
      %dma_start3A_332 = tpu.memref_slice %arg3[%add3A, %dma_start3A_331] : memref<32x32xi32, #tpu.memory_space<hbm>> -> memref<1x32xi32, #tpu.memory_space<hbm>>
      %dma_start3A_333 = tpu.memref_squeeze %dma_start3A_332 : memref<1x32xi32, #tpu.memory_space<hbm>> -> memref<32xi32, #tpu.memory_space<hbm>>
      %dma_start3A_334 = arith.constant 0 : i32
      %dma_start3A_335 = tpu.memref_slice %arg7[%run_scoped3A, %dma_start3A_334] : memref<4x32xi32, #tpu.memory_space<vmem>> -> memref<1x32xi32, #tpu.memory_space<vmem>>
      %dma_start3A_336 = tpu.memref_squeeze %dma_start3A_335 : memref<1x32xi32, #tpu.memory_space<vmem>> -> memref<32xi32, #tpu.memory_space<vmem>>
      tpu.enqueue_dma source(%dma_start3A_336 : memref<32xi32, #tpu.memory_space<vmem>>) target(%dma_start3A_333 : memref<32xi32, #tpu.memory_space<hbm>>) target_semaphore(%run_scoped3A_325 : memref<!tpu.dma_semaphore, #tpu.memory_space<semaphore_mem>>)
      %dma_wait3A = arith.constant 0 : i32
      %dma_wait3A_337 = tpu.memref_slice %arg7[%run_scoped3A, %dma_wait3A] : memref<4x32xi32, #tpu.memory_space<vmem>> -> memref<1x32xi32, #tpu.memory_space<vmem>>
      %dma_wait3A_338 = tpu.memref_squeeze %dma_wait3A_337 : memref<1x32xi32, #tpu.memory_space<vmem>> -> memref<32xi32, #tpu.memory_space<vmem>>
      %dma_wait3A_339 = arith.constant 0 : i32
      %dma_wait3A_340 = tpu.memref_slice %arg3[%add3A, %dma_wait3A_339] : memref<32x32xi32, #tpu.memory_space<hbm>> -> memref<1x32xi32, #tpu.memory_space<hbm>>
      %dma_wait3A_341 = tpu.memref_squeeze %dma_wait3A_340 : memref<1x32xi32, #tpu.memory_space<hbm>> -> memref<32xi32, #tpu.memory_space<hbm>>
      %dma_wait3A_342 = arith.constant 0 : i32
      %dma_wait3A_343 = tpu.memref_slice %arg3[%add3A, %dma_wait3A_342] : memref<32x32xi32, #tpu.memory_space<hbm>> -> memref<1x32xi32, #tpu.memory_space<hbm>>
      %dma_wait3A_344 = tpu.memref_squeeze %dma_wait3A_343 : memref<1x32xi32, #tpu.memory_space<hbm>> -> memref<32xi32, #tpu.memory_space<hbm>>
      %dma_wait3A_345 = arith.constant 0 : i32
      %dma_wait3A_346 = tpu.memref_slice %arg7[%run_scoped3A, %dma_wait3A_345] : memref<4x32xi32, #tpu.memory_space<vmem>> -> memref<1x32xi32, #tpu.memory_space<vmem>>
      %dma_wait3A_347 = tpu.memref_squeeze %dma_wait3A_346 : memref<1x32xi32, #tpu.memory_space<vmem>> -> memref<32xi32, #tpu.memory_space<vmem>>
      tpu.wait_dma2 semaphore(%run_scoped3A_325 : memref<!tpu.dma_semaphore, #tpu.memory_space<semaphore_mem>>) src(%dma_wait3A_347 : memref<32xi32, #tpu.memory_space<vmem>>) dst(%dma_wait3A_344 : memref<32xi32, #tpu.memory_space<hbm>>)
      tpu.yield
    }) : () -> ()
    %barrier3A = arith.constant 0 : index
    tpu.barrier barrier_id(%barrier3A)
    %eq3A_322 = arith.constant 0 : i32
    %eq3A_323 = arith.cmpi eq, %arg1, %eq3A_322 : i32
    %convert_element_type3A = arith.extui %eq3A_323 : i1 to i32
    %cond3A = arith.constant 0 : i32
    %cond3A_324 = arith.cmpi ne, %convert_element_type3A, %cond3A : i32
    scf.if %cond3A_324 {
      %mul3A_325 = arith.constant 16 : i32
      %mul3A_326 = arith.muli %arg0, %mul3A_325 : i32
      "tpu.region"() ({
        %run_scoped3A_765 = tpu.sem_alloc : memref<!tpu.dma_semaphore, #tpu.memory_space<semaphore_mem>>
        %dma_start3A = arith.constant 0 : i32
        %dma_start3A_766 = tpu.memref_slice %arg3[%mul3A_326, %dma_start3A] : memref<32x32xi32, #tpu.memory_space<hbm>> -> memref<16x32xi32, #tpu.memory_space<hbm>>
        %dma_start3A_767 = arith.constant 0 : i32
        %dma_start3A_768 = tpu.memref_slice %arg3[%mul3A_326, %dma_start3A_767] : memref<32x32xi32, #tpu.memory_space<hbm>> -> memref<16x32xi32, #tpu.memory_space<hbm>>
        tpu.enqueue_dma source(%dma_start3A_768 : memref<16x32xi32, #tpu.memory_space<hbm>>) target(%arg9 : memref<16x32xi32, #tpu.memory_space<vmem>>) target_semaphore(%run_scoped3A_765 : memref<!tpu.dma_semaphore, #tpu.memory_space<semaphore_mem>>)
        %dma_wait3A = arith.constant 0 : i32
        %dma_wait3A_769 = tpu.memref_slice %arg3[%mul3A_326, %dma_wait3A] : memref<32x32xi32, #tpu.memory_space<hbm>> -> memref<16x32xi32, #tpu.memory_space<hbm>>
        %dma_wait3A_770 = arith.constant 0 : i32
        %dma_wait3A_771 = tpu.memref_slice %arg3[%mul3A_326, %dma_wait3A_770] : memref<32x32xi32, #tpu.memory_space<hbm>> -> memref<16x32xi32, #tpu.memory_space<hbm>>
        tpu.wait_dma2 semaphore(%run_scoped3A_765 : memref<!tpu.dma_semaphore, #tpu.memory_space<semaphore_mem>>) src(%dma_wait3A_771 : memref<16x32xi32, #tpu.memory_space<hbm>>) dst(%arg9 : memref<16x32xi32, #tpu.memory_space<vmem>>)
        tpu.yield
      }) : () -> ()
      %broadcast_in_dim3A_327 = arith.constant 0 : i32
      %broadcast_in_dim3A_328 = vector.broadcast %broadcast_in_dim3A_327 : i32 to vector<16xi32>
      %get3A_329 = arith.constant 0 : i32
      %get3A_330 = arith.index_cast %get3A_329 : i32 to index
      %get3A_331 = arith.constant 0 : index
      %get3A_332 = tpu.vector_load %arg9[%get3A_330, %get3A_331] {strides = array<i32>} : memref<16x32xi32, #tpu.memory_space<vmem>>, vector<1x16xi32>,
      %get3A_333 = vector.shape_cast %get3A_332 : vector<1x16xi32> to vector<16xi32>
      %and3A_334 = arith.constant 3 : i32
      %and3A_335 = vector.broadcast %and3A_334 : i32 to vector<16xi32>
      %and3A_336 = arith.andi %iota3A, %and3A_335 : vector<16xi32>
      %broadcast_in_dim3A_337 = vector.shape_cast %and3A_336 : vector<16xi32> to vector<16x1xi32>
      %gather3A_338 = vector.shape_cast %broadcast_in_dim3A_337 : vector<16x1xi32> to vector<16xi32>
      %gather3A_339 = tpu.dynamic_gather %get3A_333[%gather3A_338] in [0] : vector<16xi32>, vector<16xi32> -> vector<16xi32>
      %shift_right_arithmetic3A_340 = arith.constant 2 : i32
      %shift_right_arithmetic3A_341 = vector.broadcast %shift_right_arithmetic3A_340 : i32 to vector<16xi32>
      %shift_right_arithmetic3A_342 = arith.shrsi %iota3A, %shift_right_arithmetic3A_341 : vector<16xi32>
      %eq3A_343 = arith.constant 0 : i32
      %eq3A_344 = vector.broadcast %eq3A_343 : i32 to vector<16xi32>
      %eq3A_345 = arith.cmpi eq, %shift_right_arithmetic3A_342, %eq3A_344 : vector<16xi32>
      %select_n3A_346 = arith.select %eq3A_345, %gather3A_339, %broadcast_in_dim3A_328 : vector<16xi1>, vector<16xi32>
      %get3A_347 = arith.constant 1 : i32
      %get3A_348 = arith.index_cast %get3A_347 : i32 to index
      %get3A_349 = arith.constant 0 : index
      %get3A_350 = tpu.vector_load %arg9[%get3A_348, %get3A_349] {strides = array<i32>} : memref<16x32xi32, #tpu.memory_space<vmem>>, vector<1x16xi32>,
      %get3A_351 = vector.shape_cast %get3A_350 : vector<1x16xi32> to vector<16xi32>
      %and3A_352 = arith.constant 3 : i32
      %and3A_353 = vector.broadcast %and3A_352 : i32 to vector<16xi32>
      %and3A_354 = arith.andi %iota3A, %and3A_353 : vector<16xi32>
      %broadcast_in_dim3A_355 = vector.shape_cast %and3A_354 : vector<16xi32> to vector<16x1xi32>
      %gather3A_356 = vector.shape_cast %broadcast_in_dim3A_355 : vector<16x1xi32> to vector<16xi32>
      %gather3A_357 = tpu.dynamic_gather %get3A_351[%gather3A_356] in [0] : vector<16xi32>, vector<16xi32> -> vector<16xi32>
      %shift_right_arithmetic3A_358 = arith.constant 2 : i32
      %shift_right_arithmetic3A_359 = vector.broadcast %shift_right_arithmetic3A_358 : i32 to vector<16xi32>
      %shift_right_arithmetic3A_360 = arith.shrsi %iota3A, %shift_right_arithmetic3A_359 : vector<16xi32>
      %eq3A_361 = arith.constant 1 : i32
      %eq3A_362 = vector.broadcast %eq3A_361 : i32 to vector<16xi32>
      %eq3A_363 = arith.cmpi eq, %shift_right_arithmetic3A_360, %eq3A_362 : vector<16xi32>
      %select_n3A_364 = arith.select %eq3A_363, %gather3A_357, %select_n3A_346 : vector<16xi1>, vector<16xi32>
      %get3A_365 = arith.constant 2 : i32
      %get3A_366 = arith.index_cast %get3A_365 : i32 to index
      %get3A_367 = arith.constant 0 : index
      %get3A_368 = tpu.vector_load %arg9[%get3A_366, %get3A_367] {strides = array<i32>} : memref<16x32xi32, #tpu.memory_space<vmem>>, vector<1x16xi32>,
      %get3A_369 = vector.shape_cast %get3A_368 : vector<1x16xi32> to vector<16xi32>
      %and3A_370 = arith.constant 3 : i32
      %and3A_371 = vector.broadcast %and3A_370 : i32 to vector<16xi32>
      %and3A_372 = arith.andi %iota3A, %and3A_371 : vector<16xi32>
      %broadcast_in_dim3A_373 = vector.shape_cast %and3A_372 : vector<16xi32> to vector<16x1xi32>
      %gather3A_374 = vector.shape_cast %broadcast_in_dim3A_373 : vector<16x1xi32> to vector<16xi32>
      %gather3A_375 = tpu.dynamic_gather %get3A_369[%gather3A_374] in [0] : vector<16xi32>, vector<16xi32> -> vector<16xi32>
      %shift_right_arithmetic3A_376 = arith.constant 2 : i32
      %shift_right_arithmetic3A_377 = vector.broadcast %shift_right_arithmetic3A_376 : i32 to vector<16xi32>
      %shift_right_arithmetic3A_378 = arith.shrsi %iota3A, %shift_right_arithmetic3A_377 : vector<16xi32>
      %eq3A_379 = arith.constant 2 : i32
      %eq3A_380 = vector.broadcast %eq3A_379 : i32 to vector<16xi32>
      %eq3A_381 = arith.cmpi eq, %shift_right_arithmetic3A_378, %eq3A_380 : vector<16xi32>
      %select_n3A_382 = arith.select %eq3A_381, %gather3A_375, %select_n3A_364 : vector<16xi1>, vector<16xi32>
      %get3A_383 = arith.constant 3 : i32
      %get3A_384 = arith.index_cast %get3A_383 : i32 to index
      %get3A_385 = arith.constant 0 : index
      %get3A_386 = tpu.vector_load %arg9[%get3A_384, %get3A_385] {strides = array<i32>} : memref<16x32xi32, #tpu.memory_space<vmem>>, vector<1x16xi32>,
      %get3A_387 = vector.shape_cast %get3A_386 : vector<1x16xi32> to vector<16xi32>
      %and3A_388 = arith.constant 3 : i32
      %and3A_389 = vector.broadcast %and3A_388 : i32 to vector<16xi32>
      %and3A_390 = arith.andi %iota3A, %and3A_389 : vector<16xi32>
      %broadcast_in_dim3A_391 = vector.shape_cast %and3A_390 : vector<16xi32> to vector<16x1xi32>
      %gather3A_392 = vector.shape_cast %broadcast_in_dim3A_391 : vector<16x1xi32> to vector<16xi32>
      %gather3A_393 = tpu.dynamic_gather %get3A_387[%gather3A_392] in [0] : vector<16xi32>, vector<16xi32> -> vector<16xi32>
      %shift_right_arithmetic3A_394 = arith.constant 2 : i32
      %shift_right_arithmetic3A_395 = vector.broadcast %shift_right_arithmetic3A_394 : i32 to vector<16xi32>
      %shift_right_arithmetic3A_396 = arith.shrsi %iota3A, %shift_right_arithmetic3A_395 : vector<16xi32>
      %eq3A_397 = arith.constant 3 : i32
      %eq3A_398 = vector.broadcast %eq3A_397 : i32 to vector<16xi32>
      %eq3A_399 = arith.cmpi eq, %shift_right_arithmetic3A_396, %eq3A_398 : vector<16xi32>
      %select_n3A_400 = arith.select %eq3A_399, %gather3A_393, %select_n3A_382 : vector<16xi1>, vector<16xi32>
      %swap3A_401 = arith.constant 0 : i32
      %swap3A_402 = arith.index_cast %swap3A_401 : i32 to index
      %swap3A_403 = arith.constant 0 : index
      %swap3A_404 = tpu.vector_load %arg10[%swap3A_402, %swap3A_403] {strides = array<i32>} : memref<4x16xi32, #tpu.memory_space<vmem>>, vector<1x16xi32>,
      %swap3A_405 = vector.shape_cast %swap3A_404 : vector<1x16xi32> to vector<16xi32>
      %swap3A_406 = vector.shape_cast %select_n3A_400 : vector<16xi32> to vector<1x16xi32>
      tpu.vector_store %arg10[%swap3A_402, %swap3A_403], %swap3A_406 {strides = array<i32>} : memref<4x16xi32, #tpu.memory_space<vmem>>, vector<1x16xi32>,
      %broadcast_in_dim3A_407 = arith.constant 0 : i32
      %broadcast_in_dim3A_408 = vector.broadcast %broadcast_in_dim3A_407 : i32 to vector<16xi32>
      %get3A_409 = arith.constant 4 : i32
      %get3A_410 = arith.index_cast %get3A_409 : i32 to index
      %get3A_411 = arith.constant 0 : index
      %get3A_412 = tpu.vector_load %arg9[%get3A_410, %get3A_411] {strides = array<i32>} : memref<16x32xi32, #tpu.memory_space<vmem>>, vector<1x16xi32>,
      %get3A_413 = vector.shape_cast %get3A_412 : vector<1x16xi32> to vector<16xi32>
      %and3A_414 = arith.constant 3 : i32
      %and3A_415 = vector.broadcast %and3A_414 : i32 to vector<16xi32>
      %and3A_416 = arith.andi %iota3A, %and3A_415 : vector<16xi32>
      %broadcast_in_dim3A_417 = vector.shape_cast %and3A_416 : vector<16xi32> to vector<16x1xi32>
      %gather3A_418 = vector.shape_cast %broadcast_in_dim3A_417 : vector<16x1xi32> to vector<16xi32>
      %gather3A_419 = tpu.dynamic_gather %get3A_413[%gather3A_418] in [0] : vector<16xi32>, vector<16xi32> -> vector<16xi32>
      %shift_right_arithmetic3A_420 = arith.constant 2 : i32
      %shift_right_arithmetic3A_421 = vector.broadcast %shift_right_arithmetic3A_420 : i32 to vector<16xi32>
      %shift_right_arithmetic3A_422 = arith.shrsi %iota3A, %shift_right_arithmetic3A_421 : vector<16xi32>
      %eq3A_423 = arith.constant 0 : i32
      %eq3A_424 = vector.broadcast %eq3A_423 : i32 to vector<16xi32>
      %eq3A_425 = arith.cmpi eq, %shift_right_arithmetic3A_422, %eq3A_424 : vector<16xi32>
      %select_n3A_426 = arith.select %eq3A_425, %gather3A_419, %broadcast_in_dim3A_408 : vector<16xi1>, vector<16xi32>
      %get3A_427 = arith.constant 5 : i32
      %get3A_428 = arith.index_cast %get3A_427 : i32 to index
      %get3A_429 = arith.constant 0 : index
      %get3A_430 = tpu.vector_load %arg9[%get3A_428, %get3A_429] {strides = array<i32>} : memref<16x32xi32, #tpu.memory_space<vmem>>, vector<1x16xi32>,
      %get3A_431 = vector.shape_cast %get3A_430 : vector<1x16xi32> to vector<16xi32>
      %and3A_432 = arith.constant 3 : i32
      %and3A_433 = vector.broadcast %and3A_432 : i32 to vector<16xi32>
      %and3A_434 = arith.andi %iota3A, %and3A_433 : vector<16xi32>
      %broadcast_in_dim3A_435 = vector.shape_cast %and3A_434 : vector<16xi32> to vector<16x1xi32>
      %gather3A_436 = vector.shape_cast %broadcast_in_dim3A_435 : vector<16x1xi32> to vector<16xi32>
      %gather3A_437 = tpu.dynamic_gather %get3A_431[%gather3A_436] in [0] : vector<16xi32>, vector<16xi32> -> vector<16xi32>
      %shift_right_arithmetic3A_438 = arith.constant 2 : i32
      %shift_right_arithmetic3A_439 = vector.broadcast %shift_right_arithmetic3A_438 : i32 to vector<16xi32>
      %shift_right_arithmetic3A_440 = arith.shrsi %iota3A, %shift_right_arithmetic3A_439 : vector<16xi32>
      %eq3A_441 = arith.constant 1 : i32
      %eq3A_442 = vector.broadcast %eq3A_441 : i32 to vector<16xi32>
      %eq3A_443 = arith.cmpi eq, %shift_right_arithmetic3A_440, %eq3A_442 : vector<16xi32>
      %select_n3A_444 = arith.select %eq3A_443, %gather3A_437, %select_n3A_426 : vector<16xi1>, vector<16xi32>
      %get3A_445 = arith.constant 6 : i32
      %get3A_446 = arith.index_cast %get3A_445 : i32 to index
      %get3A_447 = arith.constant 0 : index
      %get3A_448 = tpu.vector_load %arg9[%get3A_446, %get3A_447] {strides = array<i32>} : memref<16x32xi32, #tpu.memory_space<vmem>>, vector<1x16xi32>,
      %get3A_449 = vector.shape_cast %get3A_448 : vector<1x16xi32> to vector<16xi32>
      %and3A_450 = arith.constant 3 : i32
      %and3A_451 = vector.broadcast %and3A_450 : i32 to vector<16xi32>
      %and3A_452 = arith.andi %iota3A, %and3A_451 : vector<16xi32>
      %broadcast_in_dim3A_453 = vector.shape_cast %and3A_452 : vector<16xi32> to vector<16x1xi32>
      %gather3A_454 = vector.shape_cast %broadcast_in_dim3A_453 : vector<16x1xi32> to vector<16xi32>
      %gather3A_455 = tpu.dynamic_gather %get3A_449[%gather3A_454] in [0] : vector<16xi32>, vector<16xi32> -> vector<16xi32>
      %shift_right_arithmetic3A_456 = arith.constant 2 : i32
      %shift_right_arithmetic3A_457 = vector.broadcast %shift_right_arithmetic3A_456 : i32 to vector<16xi32>
      %shift_right_arithmetic3A_458 = arith.shrsi %iota3A, %shift_right_arithmetic3A_457 : vector<16xi32>
      %eq3A_459 = arith.constant 2 : i32
      %eq3A_460 = vector.broadcast %eq3A_459 : i32 to vector<16xi32>
      %eq3A_461 = arith.cmpi eq, %shift_right_arithmetic3A_458, %eq3A_460 : vector<16xi32>
      %select_n3A_462 = arith.select %eq3A_461, %gather3A_455, %select_n3A_444 : vector<16xi1>, vector<16xi32>
      %get3A_463 = arith.constant 7 : i32
      %get3A_464 = arith.index_cast %get3A_463 : i32 to index
      %get3A_465 = arith.constant 0 : index
      %get3A_466 = tpu.vector_load %arg9[%get3A_464, %get3A_465] {strides = array<i32>} : memref<16x32xi32, #tpu.memory_space<vmem>>, vector<1x16xi32>,
      %get3A_467 = vector.shape_cast %get3A_466 : vector<1x16xi32> to vector<16xi32>
      %and3A_468 = arith.constant 3 : i32
      %and3A_469 = vector.broadcast %and3A_468 : i32 to vector<16xi32>
      %and3A_470 = arith.andi %iota3A, %and3A_469 : vector<16xi32>
      %broadcast_in_dim3A_471 = vector.shape_cast %and3A_470 : vector<16xi32> to vector<16x1xi32>
      %gather3A_472 = vector.shape_cast %broadcast_in_dim3A_471 : vector<16x1xi32> to vector<16xi32>
      %gather3A_473 = tpu.dynamic_gather %get3A_467[%gather3A_472] in [0] : vector<16xi32>, vector<16xi32> -> vector<16xi32>
      %shift_right_arithmetic3A_474 = arith.constant 2 : i32
      %shift_right_arithmetic3A_475 = vector.broadcast %shift_right_arithmetic3A_474 : i32 to vector<16xi32>
      %shift_right_arithmetic3A_476 = arith.shrsi %iota3A, %shift_right_arithmetic3A_475 : vector<16xi32>
      %eq3A_477 = arith.constant 3 : i32
      %eq3A_478 = vector.broadcast %eq3A_477 : i32 to vector<16xi32>
      %eq3A_479 = arith.cmpi eq, %shift_right_arithmetic3A_476, %eq3A_478 : vector<16xi32>
      %select_n3A_480 = arith.select %eq3A_479, %gather3A_473, %select_n3A_462 : vector<16xi1>, vector<16xi32>
      %swap3A_481 = arith.constant 1 : i32
      %swap3A_482 = arith.index_cast %swap3A_481 : i32 to index
      %swap3A_483 = arith.constant 0 : index
      %swap3A_484 = tpu.vector_load %arg10[%swap3A_482, %swap3A_483] {strides = array<i32>} : memref<4x16xi32, #tpu.memory_space<vmem>>, vector<1x16xi32>,
      %swap3A_485 = vector.shape_cast %swap3A_484 : vector<1x16xi32> to vector<16xi32>
      %swap3A_486 = vector.shape_cast %select_n3A_480 : vector<16xi32> to vector<1x16xi32>
      tpu.vector_store %arg10[%swap3A_482, %swap3A_483], %swap3A_486 {strides = array<i32>} : memref<4x16xi32, #tpu.memory_space<vmem>>, vector<1x16xi32>,
      %broadcast_in_dim3A_487 = arith.constant 0 : i32
      %broadcast_in_dim3A_488 = vector.broadcast %broadcast_in_dim3A_487 : i32 to vector<16xi32>
      %get3A_489 = arith.constant 8 : i32
      %get3A_490 = arith.index_cast %get3A_489 : i32 to index
      %get3A_491 = arith.constant 0 : index
      %get3A_492 = tpu.vector_load %arg9[%get3A_490, %get3A_491] {strides = array<i32>} : memref<16x32xi32, #tpu.memory_space<vmem>>, vector<1x16xi32>,
      %get3A_493 = vector.shape_cast %get3A_492 : vector<1x16xi32> to vector<16xi32>
      %and3A_494 = arith.constant 3 : i32
      %and3A_495 = vector.broadcast %and3A_494 : i32 to vector<16xi32>
      %and3A_496 = arith.andi %iota3A, %and3A_495 : vector<16xi32>
      %broadcast_in_dim3A_497 = vector.shape_cast %and3A_496 : vector<16xi32> to vector<16x1xi32>
      %gather3A_498 = vector.shape_cast %broadcast_in_dim3A_497 : vector<16x1xi32> to vector<16xi32>
      %gather3A_499 = tpu.dynamic_gather %get3A_493[%gather3A_498] in [0] : vector<16xi32>, vector<16xi32> -> vector<16xi32>
      %shift_right_arithmetic3A_500 = arith.constant 2 : i32
      %shift_right_arithmetic3A_501 = vector.broadcast %shift_right_arithmetic3A_500 : i32 to vector<16xi32>
      %shift_right_arithmetic3A_502 = arith.shrsi %iota3A, %shift_right_arithmetic3A_501 : vector<16xi32>
      %eq3A_503 = arith.constant 0 : i32
      %eq3A_504 = vector.broadcast %eq3A_503 : i32 to vector<16xi32>
      %eq3A_505 = arith.cmpi eq, %shift_right_arithmetic3A_502, %eq3A_504 : vector<16xi32>
      %select_n3A_506 = arith.select %eq3A_505, %gather3A_499, %broadcast_in_dim3A_488 : vector<16xi1>, vector<16xi32>
      %get3A_507 = arith.constant 9 : i32
      %get3A_508 = arith.index_cast %get3A_507 : i32 to index
      %get3A_509 = arith.constant 0 : index
      %get3A_510 = tpu.vector_load %arg9[%get3A_508, %get3A_509] {strides = array<i32>} : memref<16x32xi32, #tpu.memory_space<vmem>>, vector<1x16xi32>,
      %get3A_511 = vector.shape_cast %get3A_510 : vector<1x16xi32> to vector<16xi32>
      %and3A_512 = arith.constant 3 : i32
      %and3A_513 = vector.broadcast %and3A_512 : i32 to vector<16xi32>
      %and3A_514 = arith.andi %iota3A, %and3A_513 : vector<16xi32>
      %broadcast_in_dim3A_515 = vector.shape_cast %and3A_514 : vector<16xi32> to vector<16x1xi32>
      %gather3A_516 = vector.shape_cast %broadcast_in_dim3A_515 : vector<16x1xi32> to vector<16xi32>
      %gather3A_517 = tpu.dynamic_gather %get3A_511[%gather3A_516] in [0] : vector<16xi32>, vector<16xi32> -> vector<16xi32>
      %shift_right_arithmetic3A_518 = arith.constant 2 : i32
      %shift_right_arithmetic3A_519 = vector.broadcast %shift_right_arithmetic3A_518 : i32 to vector<16xi32>
      %shift_right_arithmetic3A_520 = arith.shrsi %iota3A, %shift_right_arithmetic3A_519 : vector<16xi32>
      %eq3A_521 = arith.constant 1 : i32
      %eq3A_522 = vector.broadcast %eq3A_521 : i32 to vector<16xi32>
      %eq3A_523 = arith.cmpi eq, %shift_right_arithmetic3A_520, %eq3A_522 : vector<16xi32>
      %select_n3A_524 = arith.select %eq3A_523, %gather3A_517, %select_n3A_506 : vector<16xi1>, vector<16xi32>
      %get3A_525 = arith.constant 10 : i32
      %get3A_526 = arith.index_cast %get3A_525 : i32 to index
      %get3A_527 = arith.constant 0 : index
      %get3A_528 = tpu.vector_load %arg9[%get3A_526, %get3A_527] {strides = array<i32>} : memref<16x32xi32, #tpu.memory_space<vmem>>, vector<1x16xi32>,
      %get3A_529 = vector.shape_cast %get3A_528 : vector<1x16xi32> to vector<16xi32>
      %and3A_530 = arith.constant 3 : i32
      %and3A_531 = vector.broadcast %and3A_530 : i32 to vector<16xi32>
      %and3A_532 = arith.andi %iota3A, %and3A_531 : vector<16xi32>
      %broadcast_in_dim3A_533 = vector.shape_cast %and3A_532 : vector<16xi32> to vector<16x1xi32>
      %gather3A_534 = vector.shape_cast %broadcast_in_dim3A_533 : vector<16x1xi32> to vector<16xi32>
      %gather3A_535 = tpu.dynamic_gather %get3A_529[%gather3A_534] in [0] : vector<16xi32>, vector<16xi32> -> vector<16xi32>
      %shift_right_arithmetic3A_536 = arith.constant 2 : i32
      %shift_right_arithmetic3A_537 = vector.broadcast %shift_right_arithmetic3A_536 : i32 to vector<16xi32>
      %shift_right_arithmetic3A_538 = arith.shrsi %iota3A, %shift_right_arithmetic3A_537 : vector<16xi32>
      %eq3A_539 = arith.constant 2 : i32
      %eq3A_540 = vector.broadcast %eq3A_539 : i32 to vector<16xi32>
      %eq3A_541 = arith.cmpi eq, %shift_right_arithmetic3A_538, %eq3A_540 : vector<16xi32>
      %select_n3A_542 = arith.select %eq3A_541, %gather3A_535, %select_n3A_524 : vector<16xi1>, vector<16xi32>
      %get3A_543 = arith.constant 11 : i32
      %get3A_544 = arith.index_cast %get3A_543 : i32 to index
      %get3A_545 = arith.constant 0 : index
      %get3A_546 = tpu.vector_load %arg9[%get3A_544, %get3A_545] {strides = array<i32>} : memref<16x32xi32, #tpu.memory_space<vmem>>, vector<1x16xi32>,
      %get3A_547 = vector.shape_cast %get3A_546 : vector<1x16xi32> to vector<16xi32>
      %and3A_548 = arith.constant 3 : i32
      %and3A_549 = vector.broadcast %and3A_548 : i32 to vector<16xi32>
      %and3A_550 = arith.andi %iota3A, %and3A_549 : vector<16xi32>
      %broadcast_in_dim3A_551 = vector.shape_cast %and3A_550 : vector<16xi32> to vector<16x1xi32>
      %gather3A_552 = vector.shape_cast %broadcast_in_dim3A_551 : vector<16x1xi32> to vector<16xi32>
      %gather3A_553 = tpu.dynamic_gather %get3A_547[%gather3A_552] in [0] : vector<16xi32>, vector<16xi32> -> vector<16xi32>
      %shift_right_arithmetic3A_554 = arith.constant 2 : i32
      %shift_right_arithmetic3A_555 = vector.broadcast %shift_right_arithmetic3A_554 : i32 to vector<16xi32>
      %shift_right_arithmetic3A_556 = arith.shrsi %iota3A, %shift_right_arithmetic3A_555 : vector<16xi32>
      %eq3A_557 = arith.constant 3 : i32
      %eq3A_558 = vector.broadcast %eq3A_557 : i32 to vector<16xi32>
      %eq3A_559 = arith.cmpi eq, %shift_right_arithmetic3A_556, %eq3A_558 : vector<16xi32>
      %select_n3A_560 = arith.select %eq3A_559, %gather3A_553, %select_n3A_542 : vector<16xi1>, vector<16xi32>
      %swap3A_561 = arith.constant 2 : i32
      %swap3A_562 = arith.index_cast %swap3A_561 : i32 to index
      %swap3A_563 = arith.constant 0 : index
      %swap3A_564 = tpu.vector_load %arg10[%swap3A_562, %swap3A_563] {strides = array<i32>} : memref<4x16xi32, #tpu.memory_space<vmem>>, vector<1x16xi32>,
      %swap3A_565 = vector.shape_cast %swap3A_564 : vector<1x16xi32> to vector<16xi32>
      %swap3A_566 = vector.shape_cast %select_n3A_560 : vector<16xi32> to vector<1x16xi32>
      tpu.vector_store %arg10[%swap3A_562, %swap3A_563], %swap3A_566 {strides = array<i32>} : memref<4x16xi32, #tpu.memory_space<vmem>>, vector<1x16xi32>,
      %broadcast_in_dim3A_567 = arith.constant 0 : i32
      %broadcast_in_dim3A_568 = vector.broadcast %broadcast_in_dim3A_567 : i32 to vector<16xi32>
      %get3A_569 = arith.constant 12 : i32
      %get3A_570 = arith.index_cast %get3A_569 : i32 to index
      %get3A_571 = arith.constant 0 : index
      %get3A_572 = tpu.vector_load %arg9[%get3A_570, %get3A_571] {strides = array<i32>} : memref<16x32xi32, #tpu.memory_space<vmem>>, vector<1x16xi32>,
      %get3A_573 = vector.shape_cast %get3A_572 : vector<1x16xi32> to vector<16xi32>
      %and3A_574 = arith.constant 3 : i32
      %and3A_575 = vector.broadcast %and3A_574 : i32 to vector<16xi32>
      %and3A_576 = arith.andi %iota3A, %and3A_575 : vector<16xi32>
      %broadcast_in_dim3A_577 = vector.shape_cast %and3A_576 : vector<16xi32> to vector<16x1xi32>
      %gather3A_578 = vector.shape_cast %broadcast_in_dim3A_577 : vector<16x1xi32> to vector<16xi32>
      %gather3A_579 = tpu.dynamic_gather %get3A_573[%gather3A_578] in [0] : vector<16xi32>, vector<16xi32> -> vector<16xi32>
      %shift_right_arithmetic3A_580 = arith.constant 2 : i32
      %shift_right_arithmetic3A_581 = vector.broadcast %shift_right_arithmetic3A_580 : i32 to vector<16xi32>
      %shift_right_arithmetic3A_582 = arith.shrsi %iota3A, %shift_right_arithmetic3A_581 : vector<16xi32>
      %eq3A_583 = arith.constant 0 : i32
      %eq3A_584 = vector.broadcast %eq3A_583 : i32 to vector<16xi32>
      %eq3A_585 = arith.cmpi eq, %shift_right_arithmetic3A_582, %eq3A_584 : vector<16xi32>
      %select_n3A_586 = arith.select %eq3A_585, %gather3A_579, %broadcast_in_dim3A_568 : vector<16xi1>, vector<16xi32>
      %get3A_587 = arith.constant 13 : i32
      %get3A_588 = arith.index_cast %get3A_587 : i32 to index
      %get3A_589 = arith.constant 0 : index
      %get3A_590 = tpu.vector_load %arg9[%get3A_588, %get3A_589] {strides = array<i32>} : memref<16x32xi32, #tpu.memory_space<vmem>>, vector<1x16xi32>,
      %get3A_591 = vector.shape_cast %get3A_590 : vector<1x16xi32> to vector<16xi32>
      %and3A_592 = arith.constant 3 : i32
      %and3A_593 = vector.broadcast %and3A_592 : i32 to vector<16xi32>
      %and3A_594 = arith.andi %iota3A, %and3A_593 : vector<16xi32>
      %broadcast_in_dim3A_595 = vector.shape_cast %and3A_594 : vector<16xi32> to vector<16x1xi32>
      %gather3A_596 = vector.shape_cast %broadcast_in_dim3A_595 : vector<16x1xi32> to vector<16xi32>
      %gather3A_597 = tpu.dynamic_gather %get3A_591[%gather3A_596] in [0] : vector<16xi32>, vector<16xi32> -> vector<16xi32>
      %shift_right_arithmetic3A_598 = arith.constant 2 : i32
      %shift_right_arithmetic3A_599 = vector.broadcast %shift_right_arithmetic3A_598 : i32 to vector<16xi32>
      %shift_right_arithmetic3A_600 = arith.shrsi %iota3A, %shift_right_arithmetic3A_599 : vector<16xi32>
      %eq3A_601 = arith.constant 1 : i32
      %eq3A_602 = vector.broadcast %eq3A_601 : i32 to vector<16xi32>
      %eq3A_603 = arith.cmpi eq, %shift_right_arithmetic3A_600, %eq3A_602 : vector<16xi32>
      %select_n3A_604 = arith.select %eq3A_603, %gather3A_597, %select_n3A_586 : vector<16xi1>, vector<16xi32>
      %get3A_605 = arith.constant 14 : i32
      %get3A_606 = arith.index_cast %get3A_605 : i32 to index
      %get3A_607 = arith.constant 0 : index
      %get3A_608 = tpu.vector_load %arg9[%get3A_606, %get3A_607] {strides = array<i32>} : memref<16x32xi32, #tpu.memory_space<vmem>>, vector<1x16xi32>,
      %get3A_609 = vector.shape_cast %get3A_608 : vector<1x16xi32> to vector<16xi32>
      %and3A_610 = arith.constant 3 : i32
      %and3A_611 = vector.broadcast %and3A_610 : i32 to vector<16xi32>
      %and3A_612 = arith.andi %iota3A, %and3A_611 : vector<16xi32>
      %broadcast_in_dim3A_613 = vector.shape_cast %and3A_612 : vector<16xi32> to vector<16x1xi32>
      %gather3A_614 = vector.shape_cast %broadcast_in_dim3A_613 : vector<16x1xi32> to vector<16xi32>
      %gather3A_615 = tpu.dynamic_gather %get3A_609[%gather3A_614] in [0] : vector<16xi32>, vector<16xi32> -> vector<16xi32>
      %shift_right_arithmetic3A_616 = arith.constant 2 : i32
      %shift_right_arithmetic3A_617 = vector.broadcast %shift_right_arithmetic3A_616 : i32 to vector<16xi32>
      %shift_right_arithmetic3A_618 = arith.shrsi %iota3A, %shift_right_arithmetic3A_617 : vector<16xi32>
      %eq3A_619 = arith.constant 2 : i32
      %eq3A_620 = vector.broadcast %eq3A_619 : i32 to vector<16xi32>
      %eq3A_621 = arith.cmpi eq, %shift_right_arithmetic3A_618, %eq3A_620 : vector<16xi32>
      %select_n3A_622 = arith.select %eq3A_621, %gather3A_615, %select_n3A_604 : vector<16xi1>, vector<16xi32>
      %get3A_623 = arith.constant 15 : i32
      %get3A_624 = arith.index_cast %get3A_623 : i32 to index
      %get3A_625 = arith.constant 0 : index
      %get3A_626 = tpu.vector_load %arg9[%get3A_624, %get3A_625] {strides = array<i32>} : memref<16x32xi32, #tpu.memory_space<vmem>>, vector<1x16xi32>,
      %get3A_627 = vector.shape_cast %get3A_626 : vector<1x16xi32> to vector<16xi32>
      %and3A_628 = arith.constant 3 : i32
      %and3A_629 = vector.broadcast %and3A_628 : i32 to vector<16xi32>
      %and3A_630 = arith.andi %iota3A, %and3A_629 : vector<16xi32>
      %broadcast_in_dim3A_631 = vector.shape_cast %and3A_630 : vector<16xi32> to vector<16x1xi32>
      %gather3A_632 = vector.shape_cast %broadcast_in_dim3A_631 : vector<16x1xi32> to vector<16xi32>
      %gather3A_633 = tpu.dynamic_gather %get3A_627[%gather3A_632] in [0] : vector<16xi32>, vector<16xi32> -> vector<16xi32>
      %shift_right_arithmetic3A_634 = arith.constant 2 : i32
      %shift_right_arithmetic3A_635 = vector.broadcast %shift_right_arithmetic3A_634 : i32 to vector<16xi32>
      %shift_right_arithmetic3A_636 = arith.shrsi %iota3A, %shift_right_arithmetic3A_635 : vector<16xi32>
      %eq3A_637 = arith.constant 3 : i32
      %eq3A_638 = vector.broadcast %eq3A_637 : i32 to vector<16xi32>
      %eq3A_639 = arith.cmpi eq, %shift_right_arithmetic3A_636, %eq3A_638 : vector<16xi32>
      %select_n3A_640 = arith.select %eq3A_639, %gather3A_633, %select_n3A_622 : vector<16xi1>, vector<16xi32>
      %swap3A_641 = arith.constant 3 : i32
      %swap3A_642 = arith.index_cast %swap3A_641 : i32 to index
      %swap3A_643 = arith.constant 0 : index
      %swap3A_644 = tpu.vector_load %arg10[%swap3A_642, %swap3A_643] {strides = array<i32>} : memref<4x16xi32, #tpu.memory_space<vmem>>, vector<1x16xi32>,
      %swap3A_645 = vector.shape_cast %swap3A_644 : vector<1x16xi32> to vector<16xi32>
      %swap3A_646 = vector.shape_cast %select_n3A_640 : vector<16xi32> to vector<1x16xi32>
      tpu.vector_store %arg10[%swap3A_642, %swap3A_643], %swap3A_646 {strides = array<i32>} : memref<4x16xi32, #tpu.memory_space<vmem>>, vector<1x16xi32>,
      %mul3A_647 = arith.constant 4 : i32
      %mul3A_648 = arith.muli %arg0, %mul3A_647 : i32
      "tpu.region"() ({
        %run_scoped3A_765 = tpu.sem_alloc : memref<!tpu.dma_semaphore, #tpu.memory_space<semaphore_mem>>
        %dma_start3A = arith.constant 0 : i32
        %dma_start3A_766 = tpu.memref_slice %arg4[%mul3A_648, %dma_start3A] : memref<8x16xi32, #tpu.memory_space<hbm>> -> memref<4x16xi32, #tpu.memory_space<hbm>>
        %dma_start3A_767 = arith.constant 0 : i32
        %dma_start3A_768 = tpu.memref_slice %arg4[%mul3A_648, %dma_start3A_767] : memref<8x16xi32, #tpu.memory_space<hbm>> -> memref<4x16xi32, #tpu.memory_space<hbm>>
        tpu.enqueue_dma source(%arg10 : memref<4x16xi32, #tpu.memory_space<vmem>>) target(%dma_start3A_768 : memref<4x16xi32, #tpu.memory_space<hbm>>) target_semaphore(%run_scoped3A_765 : memref<!tpu.dma_semaphore, #tpu.memory_space<semaphore_mem>>)
        %dma_wait3A = arith.constant 0 : i32
        %dma_wait3A_769 = tpu.memref_slice %arg4[%mul3A_648, %dma_wait3A] : memref<8x16xi32, #tpu.memory_space<hbm>> -> memref<4x16xi32, #tpu.memory_space<hbm>>
        %dma_wait3A_770 = arith.constant 0 : i32
        %dma_wait3A_771 = tpu.memref_slice %arg4[%mul3A_648, %dma_wait3A_770] : memref<8x16xi32, #tpu.memory_space<hbm>> -> memref<4x16xi32, #tpu.memory_space<hbm>>
        tpu.wait_dma2 semaphore(%run_scoped3A_765 : memref<!tpu.dma_semaphore, #tpu.memory_space<semaphore_mem>>) src(%arg10 : memref<4x16xi32, #tpu.memory_space<vmem>>) dst(%dma_wait3A_771 : memref<4x16xi32, #tpu.memory_space<hbm>>)
        tpu.yield
      }) : () -> ()
      %get3A_649 = arith.constant 0 : i32
      %get3A_650 = arith.index_cast %get3A_649 : i32 to index
      %get3A_651 = arith.constant 16 : index
      %get3A_652 = tpu.vector_load %arg9[%get3A_650, %get3A_651] {strides = array<i32>} : memref<16x32xi32, #tpu.memory_space<vmem>>, vector<1x16xi32>,
      %get3A_653 = vector.shape_cast %get3A_652 : vector<1x16xi32> to vector<16xi32>
      %bitcast_convert_type3A_654 = tpu.bitcast %get3A_653 : vector<16xi32> -> vector<16xf32>
      %add3A_655 = arith.addf %broadcast_in_dim3A_301, %bitcast_convert_type3A_654 : vector<16xf32>
      %get3A_656 = arith.constant 1 : i32
      %get3A_657 = arith.index_cast %get3A_656 : i32 to index
      %get3A_658 = arith.constant 16 : index
      %get3A_659 = tpu.vector_load %arg9[%get3A_657, %get3A_658] {strides = array<i32>} : memref<16x32xi32, #tpu.memory_space<vmem>>, vector<1x16xi32>,
      %get3A_660 = vector.shape_cast %get3A_659 : vector<1x16xi32> to vector<16xi32>
      %bitcast_convert_type3A_661 = tpu.bitcast %get3A_660 : vector<16xi32> -> vector<16xf32>
      %add3A_662 = arith.addf %add3A_655, %bitcast_convert_type3A_661 : vector<16xf32>
      %get3A_663 = arith.constant 2 : i32
      %get3A_664 = arith.index_cast %get3A_663 : i32 to index
      %get3A_665 = arith.constant 16 : index
      %get3A_666 = tpu.vector_load %arg9[%get3A_664, %get3A_665] {strides = array<i32>} : memref<16x32xi32, #tpu.memory_space<vmem>>, vector<1x16xi32>,
      %get3A_667 = vector.shape_cast %get3A_666 : vector<1x16xi32> to vector<16xi32>
      %bitcast_convert_type3A_668 = tpu.bitcast %get3A_667 : vector<16xi32> -> vector<16xf32>
      %add3A_669 = arith.addf %add3A_662, %bitcast_convert_type3A_668 : vector<16xf32>
      %get3A_670 = arith.constant 3 : i32
      %get3A_671 = arith.index_cast %get3A_670 : i32 to index
      %get3A_672 = arith.constant 16 : index
      %get3A_673 = tpu.vector_load %arg9[%get3A_671, %get3A_672] {strides = array<i32>} : memref<16x32xi32, #tpu.memory_space<vmem>>, vector<1x16xi32>,
      %get3A_674 = vector.shape_cast %get3A_673 : vector<1x16xi32> to vector<16xi32>
      %bitcast_convert_type3A_675 = tpu.bitcast %get3A_674 : vector<16xi32> -> vector<16xf32>
      %add3A_676 = arith.addf %add3A_669, %bitcast_convert_type3A_675 : vector<16xf32>
      %get3A_677 = arith.constant 4 : i32
      %get3A_678 = arith.index_cast %get3A_677 : i32 to index
      %get3A_679 = arith.constant 16 : index
      %get3A_680 = tpu.vector_load %arg9[%get3A_678, %get3A_679] {strides = array<i32>} : memref<16x32xi32, #tpu.memory_space<vmem>>, vector<1x16xi32>,
      %get3A_681 = vector.shape_cast %get3A_680 : vector<1x16xi32> to vector<16xi32>
      %bitcast_convert_type3A_682 = tpu.bitcast %get3A_681 : vector<16xi32> -> vector<16xf32>
      %add3A_683 = arith.addf %add3A_676, %bitcast_convert_type3A_682 : vector<16xf32>
      %get3A_684 = arith.constant 5 : i32
      %get3A_685 = arith.index_cast %get3A_684 : i32 to index
      %get3A_686 = arith.constant 16 : index
      %get3A_687 = tpu.vector_load %arg9[%get3A_685, %get3A_686] {strides = array<i32>} : memref<16x32xi32, #tpu.memory_space<vmem>>, vector<1x16xi32>,
      %get3A_688 = vector.shape_cast %get3A_687 : vector<1x16xi32> to vector<16xi32>
      %bitcast_convert_type3A_689 = tpu.bitcast %get3A_688 : vector<16xi32> -> vector<16xf32>
      %add3A_690 = arith.addf %add3A_683, %bitcast_convert_type3A_689 : vector<16xf32>
      %get3A_691 = arith.constant 6 : i32
      %get3A_692 = arith.index_cast %get3A_691 : i32 to index
      %get3A_693 = arith.constant 16 : index
      %get3A_694 = tpu.vector_load %arg9[%get3A_692, %get3A_693] {strides = array<i32>} : memref<16x32xi32, #tpu.memory_space<vmem>>, vector<1x16xi32>,
      %get3A_695 = vector.shape_cast %get3A_694 : vector<1x16xi32> to vector<16xi32>
      %bitcast_convert_type3A_696 = tpu.bitcast %get3A_695 : vector<16xi32> -> vector<16xf32>
      %add3A_697 = arith.addf %add3A_690, %bitcast_convert_type3A_696 : vector<16xf32>
      %get3A_698 = arith.constant 7 : i32
      %get3A_699 = arith.index_cast %get3A_698 : i32 to index
      %get3A_700 = arith.constant 16 : index
      %get3A_701 = tpu.vector_load %arg9[%get3A_699, %get3A_700] {strides = array<i32>} : memref<16x32xi32, #tpu.memory_space<vmem>>, vector<1x16xi32>,
      %get3A_702 = vector.shape_cast %get3A_701 : vector<1x16xi32> to vector<16xi32>
      %bitcast_convert_type3A_703 = tpu.bitcast %get3A_702 : vector<16xi32> -> vector<16xf32>
      %add3A_704 = arith.addf %add3A_697, %bitcast_convert_type3A_703 : vector<16xf32>
      %get3A_705 = arith.constant 8 : i32
      %get3A_706 = arith.index_cast %get3A_705 : i32 to index
      %get3A_707 = arith.constant 16 : index
      %get3A_708 = tpu.vector_load %arg9[%get3A_706, %get3A_707] {strides = array<i32>} : memref<16x32xi32, #tpu.memory_space<vmem>>, vector<1x16xi32>,
      %get3A_709 = vector.shape_cast %get3A_708 : vector<1x16xi32> to vector<16xi32>
      %bitcast_convert_type3A_710 = tpu.bitcast %get3A_709 : vector<16xi32> -> vector<16xf32>
      %add3A_711 = arith.addf %add3A_704, %bitcast_convert_type3A_710 : vector<16xf32>
      %get3A_712 = arith.constant 9 : i32
      %get3A_713 = arith.index_cast %get3A_712 : i32 to index
      %get3A_714 = arith.constant 16 : index
      %get3A_715 = tpu.vector_load %arg9[%get3A_713, %get3A_714] {strides = array<i32>} : memref<16x32xi32, #tpu.memory_space<vmem>>, vector<1x16xi32>,
      %get3A_716 = vector.shape_cast %get3A_715 : vector<1x16xi32> to vector<16xi32>
      %bitcast_convert_type3A_717 = tpu.bitcast %get3A_716 : vector<16xi32> -> vector<16xf32>
      %add3A_718 = arith.addf %add3A_711, %bitcast_convert_type3A_717 : vector<16xf32>
      %get3A_719 = arith.constant 10 : i32
      %get3A_720 = arith.index_cast %get3A_719 : i32 to index
      %get3A_721 = arith.constant 16 : index
      %get3A_722 = tpu.vector_load %arg9[%get3A_720, %get3A_721] {strides = array<i32>} : memref<16x32xi32, #tpu.memory_space<vmem>>, vector<1x16xi32>,
      %get3A_723 = vector.shape_cast %get3A_722 : vector<1x16xi32> to vector<16xi32>
      %bitcast_convert_type3A_724 = tpu.bitcast %get3A_723 : vector<16xi32> -> vector<16xf32>
      %add3A_725 = arith.addf %add3A_718, %bitcast_convert_type3A_724 : vector<16xf32>
      %get3A_726 = arith.constant 11 : i32
      %get3A_727 = arith.index_cast %get3A_726 : i32 to index
      %get3A_728 = arith.constant 16 : index
      %get3A_729 = tpu.vector_load %arg9[%get3A_727, %get3A_728] {strides = array<i32>} : memref<16x32xi32, #tpu.memory_space<vmem>>, vector<1x16xi32>,
      %get3A_730 = vector.shape_cast %get3A_729 : vector<1x16xi32> to vector<16xi32>
      %bitcast_convert_type3A_731 = tpu.bitcast %get3A_730 : vector<16xi32> -> vector<16xf32>
      %add3A_732 = arith.addf %add3A_725, %bitcast_convert_type3A_731 : vector<16xf32>
      %get3A_733 = arith.constant 12 : i32
      %get3A_734 = arith.index_cast %get3A_733 : i32 to index
      %get3A_735 = arith.constant 16 : index
      %get3A_736 = tpu.vector_load %arg9[%get3A_734, %get3A_735] {strides = array<i32>} : memref<16x32xi32, #tpu.memory_space<vmem>>, vector<1x16xi32>,
      %get3A_737 = vector.shape_cast %get3A_736 : vector<1x16xi32> to vector<16xi32>
      %bitcast_convert_type3A_738 = tpu.bitcast %get3A_737 : vector<16xi32> -> vector<16xf32>
      %add3A_739 = arith.addf %add3A_732, %bitcast_convert_type3A_738 : vector<16xf32>
      %get3A_740 = arith.constant 13 : i32
      %get3A_741 = arith.index_cast %get3A_740 : i32 to index
      %get3A_742 = arith.constant 16 : index
      %get3A_743 = tpu.vector_load %arg9[%get3A_741, %get3A_742] {strides = array<i32>} : memref<16x32xi32, #tpu.memory_space<vmem>>, vector<1x16xi32>,
      %get3A_744 = vector.shape_cast %get3A_743 : vector<1x16xi32> to vector<16xi32>
      %bitcast_convert_type3A_745 = tpu.bitcast %get3A_744 : vector<16xi32> -> vector<16xf32>
      %add3A_746 = arith.addf %add3A_739, %bitcast_convert_type3A_745 : vector<16xf32>
      %get3A_747 = arith.constant 14 : i32
      %get3A_748 = arith.index_cast %get3A_747 : i32 to index
      %get3A_749 = arith.constant 16 : index
      %get3A_750 = tpu.vector_load %arg9[%get3A_748, %get3A_749] {strides = array<i32>} : memref<16x32xi32, #tpu.memory_space<vmem>>, vector<1x16xi32>,
      %get3A_751 = vector.shape_cast %get3A_750 : vector<1x16xi32> to vector<16xi32>
      %bitcast_convert_type3A_752 = tpu.bitcast %get3A_751 : vector<16xi32> -> vector<16xf32>
      %add3A_753 = arith.addf %add3A_746, %bitcast_convert_type3A_752 : vector<16xf32>
      %get3A_754 = arith.constant 15 : i32
      %get3A_755 = arith.index_cast %get3A_754 : i32 to index
      %get3A_756 = arith.constant 16 : index
      %get3A_757 = tpu.vector_load %arg9[%get3A_755, %get3A_756] {strides = array<i32>} : memref<16x32xi32, #tpu.memory_space<vmem>>, vector<1x16xi32>,
      %get3A_758 = vector.shape_cast %get3A_757 : vector<1x16xi32> to vector<16xi32>
      %bitcast_convert_type3A_759 = tpu.bitcast %get3A_758 : vector<16xi32> -> vector<16xf32>
      %add3A_760 = arith.addf %add3A_753, %bitcast_convert_type3A_759 : vector<16xf32>
      %swap3A_761 = arith.constant 0 : index
      %swap3A_762 = tpu.vector_load %arg8[%swap3A_761] {strides = array<i32>} : memref<16xf32, #tpu.memory_space<vmem>>, vector<16xf32>,
      %swap3A_763 = vector.shape_cast %swap3A_762 : vector<16xf32> to vector<16xf32>
      %swap3A_764 = vector.shape_cast %add3A_760 : vector<16xf32> to vector<16xf32>
      tpu.vector_store %arg8[%swap3A_761], %swap3A_764 {strides = array<i32>} : memref<16xf32, #tpu.memory_space<vmem>>, vector<16xf32>,
      "tpu.region"() ({
        %run_scoped3A_765 = tpu.sem_alloc : memref<!tpu.dma_semaphore, #tpu.memory_space<semaphore_mem>>
        %dma_start3A = arith.constant 0 : i32
        %dma_start3A_766 = tpu.memref_slice %arg5[%arg0, %dma_start3A] : memref<2x16xf32, #tpu.memory_space<hbm>> -> memref<1x16xf32, #tpu.memory_space<hbm>>
        %dma_start3A_767 = tpu.memref_squeeze %dma_start3A_766 : memref<1x16xf32, #tpu.memory_space<hbm>> -> memref<16xf32, #tpu.memory_space<hbm>>
        %dma_start3A_768 = arith.constant 0 : i32
        %dma_start3A_769 = tpu.memref_slice %arg5[%arg0, %dma_start3A_768] : memref<2x16xf32, #tpu.memory_space<hbm>> -> memref<1x16xf32, #tpu.memory_space<hbm>>
        %dma_start3A_770 = tpu.memref_squeeze %dma_start3A_769 : memref<1x16xf32, #tpu.memory_space<hbm>> -> memref<16xf32, #tpu.memory_space<hbm>>
        tpu.enqueue_dma source(%arg8 : memref<16xf32, #tpu.memory_space<vmem>>) target(%dma_start3A_770 : memref<16xf32, #tpu.memory_space<hbm>>) target_semaphore(%run_scoped3A_765 : memref<!tpu.dma_semaphore, #tpu.memory_space<semaphore_mem>>)
        %dma_wait3A = arith.constant 0 : i32
        %dma_wait3A_771 = tpu.memref_slice %arg5[%arg0, %dma_wait3A] : memref<2x16xf32, #tpu.memory_space<hbm>> -> memref<1x16xf32, #tpu.memory_space<hbm>>
        %dma_wait3A_772 = tpu.memref_squeeze %dma_wait3A_771 : memref<1x16xf32, #tpu.memory_space<hbm>> -> memref<16xf32, #tpu.memory_space<hbm>>
        %dma_wait3A_773 = arith.constant 0 : i32
        %dma_wait3A_774 = tpu.memref_slice %arg5[%arg0, %dma_wait3A_773] : memref<2x16xf32, #tpu.memory_space<hbm>> -> memref<1x16xf32, #tpu.memory_space<hbm>>
        %dma_wait3A_775 = tpu.memref_squeeze %dma_wait3A_774 : memref<1x16xf32, #tpu.memory_space<hbm>> -> memref<16xf32, #tpu.memory_space<hbm>>
        tpu.wait_dma2 semaphore(%run_scoped3A_765 : memref<!tpu.dma_semaphore, #tpu.memory_space<semaphore_mem>>) src(%arg8 : memref<16xf32, #tpu.memory_space<vmem>>) dst(%dma_wait3A_775 : memref<16xf32, #tpu.memory_space<hbm>>)
        tpu.yield
      }) : () -> ()
    } else {
    }
    return
  }
}

module attributes {stable_mosaic.version = 14 : i64} {
  func.func @_dist_body(%arg0: memref<128x256xf32, #tpu.memory_space<vmem>>, %arg1: memref<1024x256xf32, #tpu.memory_space<vmem>>, %arg2: memref<128x1024xf32, #tpu.memory_space<vmem>>) attributes {dimension_semantics = [], scalar_prefetch = 0 : i64, scratch_operands = 0 : i64, tpu.core_type = #tpu.core_type<tc>} {
    %get3A = arith.constant 0 : index
    %get3A_0 = arith.constant 0 : index
    %get3A_1 = vector.load %arg0[%get3A, %get3A_0] : memref<128x256xf32, #tpu.memory_space<vmem>>, vector<128x256xf32>
    %sub3A = arith.constant 5.000000e-01 : f32
    %sub3A_2 = vector.broadcast %sub3A : f32 to vector<128x256xf32>
    %sub3A_3 = arith.subf %get3A_1, %sub3A_2 : vector<128x256xf32>
    %get3A_4 = arith.constant 0 : index
    %get3A_5 = arith.constant 0 : index
    %get3A_6 = vector.load %arg1[%get3A_4, %get3A_5] : memref<1024x256xf32, #tpu.memory_space<vmem>>, vector<1024x256xf32>
    %sub3A_7 = arith.constant 5.000000e-01 : f32
    %sub3A_8 = vector.broadcast %sub3A_7 : f32 to vector<1024x256xf32>
    %sub3A_9 = arith.subf %get3A_6, %sub3A_8 : vector<1024x256xf32>
    %broadcast_in_dim3A = arith.constant 1.000000e+00 : f32
    %broadcast_in_dim3A_10 = vector.broadcast %broadcast_in_dim3A : f32 to vector<1x256xf32>
    %mul3A = arith.mulf %sub3A_9, %sub3A_9 : vector<1024x256xf32>
    %dot_general3A = arith.constant dense<0.000000e+00> : vector<1x1024xf32>
    %dot_general3A_11 = tpu.matmul %broadcast_in_dim3A_10, %mul3A, %dot_general3A {dimension_numbers = #tpu.dot_dimension_numbers<[1], [1], [0], [0], [0, 0, 1, 0], [], []>, precision = #tpu.contract_precision<fp32>, transpose_lhs_hint = false} : vector<1x256xf32>, vector<1024x256xf32>, vector<1x1024xf32> -> vector<1x1024xf32>
    %dot_general3A_12 = arith.constant dense<0.000000e+00> : vector<128x1024xf32>
    %dot_general3A_13 = tpu.matmul %sub3A_3, %sub3A_9, %dot_general3A_12 {dimension_numbers = #tpu.dot_dimension_numbers<[1], [1], [0], [0], [0, 0, 1, 0], [], []>, precision = #tpu.contract_precision<fp32>, transpose_lhs_hint = false} : vector<128x256xf32>, vector<1024x256xf32>, vector<128x1024xf32> -> vector<128x1024xf32>
    %mul3A_14 = arith.mulf %sub3A_3, %sub3A_3 : vector<128x256xf32>
    %reduce_sum3A = arith.constant dense<0.000000e+00> : vector<128xf32>
    %reduce_sum3A_15 = vector.multi_reduction <add>, %mul3A_14, %reduce_sum3A [1] : vector<128x256xf32> to vector<128xf32>
    %broadcast_in_dim3A_16 = vector.shape_cast %reduce_sum3A_15 : vector<128xf32> to vector<128x1xf32>
    %mul3A_17 = arith.constant 2.000000e+00 : f32
    %mul3A_18 = vector.broadcast %mul3A_17 : f32 to vector<128x1024xf32>
    %mul3A_19 = arith.mulf %mul3A_18, %dot_general3A_13 : vector<128x1024xf32>
    %sub3A_20 = vector.broadcast %broadcast_in_dim3A_16 : vector<128x1xf32> to vector<128x1024xf32>
    %sub3A_21 = arith.subf %sub3A_20, %mul3A_19 : vector<128x1024xf32>
    %add3A = vector.broadcast %dot_general3A_11 : vector<1x1024xf32> to vector<128x1024xf32>
    %add3A_22 = arith.addf %sub3A_21, %add3A : vector<128x1024xf32>
    %swap3A = arith.constant 0 : index
    %swap3A_23 = arith.constant 0 : index
    %swap3A_24 = vector.load %arg2[%swap3A, %swap3A_23] : memref<128x1024xf32, #tpu.memory_space<vmem>>, vector<128x1024xf32>
    tpu.vector_store %arg2[%swap3A, %swap3A_23], %add3A_22 {strides = array<i32>} : memref<128x1024xf32, #tpu.memory_space<vmem>>, vector<128x1024xf32>,
    return
  }
}

</mosaic_0001>

<sc_bundles>
// kernel: kernel.4.cloned.1.call-start
scs
__scs_entry_jumppad:
0x0: {  	(pc) =	sbr.rel $0x88, $3  }
0x1: {  	(tag) =	ssettag $0x0;
	lr =	simm.s32 $0x1  }
0x2: {  	[smem:$0x3F9F] =	sst lr;
	_ =	strace $0xD0000000  }
0x3: {  	_ = 	snop  }
0x4: {  	_ = 	snop  }
0x5: {  	_ = 	snop  }
0x6: {  	_ = 	snop  }
0x7: {  	_ = 	snop  }
__scs_overlays_trampoline_lowered:
0x8: {  	[smem:$0x3FAE] =	sst s0  }
0x9: {  	[smem:$0x3FAF] =	sst s1  }
0xa: {  	[smem:$0x3FB0] =	sst s2  }
0xb: {  	[smem:$0x3FB1] =	sst s3  }
0xc: {  	[smem:$0x3FB2] =	sst s4  }
0xd: {  	[smem:$0x3FB3] =	sst s5  }
0xe: {  	[smem:$0x3FB4] =	sst s6  }
0xf: {  	[smem:$0x3FB5] =	sst s7  }
0x10: {  	[smem:$0x3FB6] =	sst s8  }
0x11: {  	[smem:$0x3FB7] =	sst s9;
	s0 =	simm.s32 @!p0 $0x0  }
0x12: {  	s1 =	sld [smem:$0x3F9D];
	s0 =	simm.s32 @p0 $0x1  }
0x13: {  	[smem:$0x3FB8] =	sst s0;
	s0 =	simm.s32 @!p1 $0x0  }
0x14: {  	s2 =	sld [smem:$0x3F9C];
	s0 =	simm.s32 @p1 $0x1  }
0x15: {  	[smem:$0x3FB9] =	sst s0;
	s0 =	simm.s32 @!p2 $0x0  }
0x16: {  	s3 =	sld [smem:$0x3FDB];
	s0 =	simm.s32 @p2 $0x1  }
0x17: {  	s4 =	simm.s32 $0x1BF5;
	[smem:$0x3FBB] =	sst s0  }
0x18: {  	s0 =	sld [smem:$0x3F9E];
	_ =	swait.ge [sflag:s4], $0x0  }
0x19: {  	s7 =	sld [smem:$0x3F9F]  }
0x1a: {  	s8 =	sadd.s32 $0xFFFFE003, lr  }
0x1b: {  	s9 =	sadd.s32 $0xFFFFFEF7, lr;
	s5 =	simm.s32 $0xFFFFFFFF;
	p2 =	slt.u32 s8, $0xFFFFF086  }
0x1c: {  	p1 =	slt.u32 s9, $0xF7A;
	s5 =	simm.s32 @!p2 $0x0  }
0x1d: {  	s5 =	simm.s32 @p1 $0x1;
	p0 =	seq.s32 s7, s2  }
0x1e: {  	s7 =	smul.u32 @!p0 $0xF7A, s2;
	p2 =	seq.s32 @!p0 s5, $0x0  }
0x1f: {  	s9 =	smul.u32 $0xF7A, s1;
	s8 =	simm.s32 @!p0 $0x1BF5;
	p2 =	por !p2, p0  }
0x20: {  	[sflag:s8] =	ssyncset.s32 @!p0 $0xFFFFF086;
	s6 =	sadd.s32 @!p0 s3, s7;
	s7 =	simm.s32 @!p0 $0x108  }
0x21: {  	s3 =	sadd.s32 s3, s9;
	s6 =	sadd.s32 @!p0 $0x88, s6;
	s7 =	simm.s32 @p2 $0x1082  }
0x22: {  	[simem:s7], [sflag:s8] =	dma.local @!p0 [hbm:s6], $0xF7A  }
0x23: {  	s9 =	sor.u32 $0xD0000000, s2;
	s6 =	simm.s32 $0x108;
	_ =	swait.ge @!p0 [sflag:s8], $0x0  }
0x24: {  	s3 =	sadd.s32 $0x88, s3;
	s6 =	simm.s32 @!p1 $0x1082;
	[sflag:s4] =	ssyncset.s32 $0xFFFFF086  }
0x25: {  	[simem:s6], [sflag:s4] =	dma.local [hbm:s3], $0xF7A  }
0x26: {  	[smem:$0x3F9F] =	sst s1;
	(tag) =	ssettag s2;
	_ =	strace s9  }
0x27: {  	s1 =	sld [smem:$0x3FAF]  }
0x28: {  	s2 =	sld [smem:$0x3FB0]  }
0x29: {  	s4 =	sld [smem:$0x3FB2]  }
0x2a: {  	p0 =	seq.s32 s5, $0x0;
	s5 =	sld [smem:$0x3FB3]  }
0x2b: {  	s6 =	sld [smem:$0x3FB4]  }
0x2c: {  	s7 =	sld [smem:$0x3FB5]  }
0x2d: {  	s3 =	simm.s32 $0x108;
	s8 =	sld [smem:$0x3FB6]  }
0x2e: {  	s3 =	simm.s32 @!p0 $0x1082;
	s9 =	sld [smem:$0x3FB7]  }
0x2f: {  	lr =	sadd.s32 s0, s3;
	s0 =	sld [smem:$0x3FAE]  }
0x30: {  	s3 =	sld [smem:$0x3FB1]  }
0x31: {  	[smem:$0x3FBA] =	sst s10  }
0x32: {  	s10 =	sld [smem:$0x3FB8];
	_ =	sdelay $0x3  }
0x33: {  	p0 =	seq.s32 s10, $0x1;
	s10 =	sld [smem:$0x3FBA];
	_ =	sdelay $0x3  }
0x34: {  	[smem:$0x3FBA] =	sst s10  }
0x35: {  	s10 =	sld [smem:$0x3FB9];
	_ =	sdelay $0x3  }
0x36: {  	p1 =	seq.s32 s10, $0x1;
	s10 =	sld [smem:$0x3FBA];
	_ =	sdelay $0x3  }
0x37: {  	[smem:$0x3FBA] =	sst s10  }
0x38: {  	s10 =	sld [smem:$0x3FBB]  }
0x39: {  	_ = 	snop;
	(pc) =	sbr.ind lr, $3  }
0x3a: {  	_ = 	snop  }
0x3b: {  	_ = 	snop  }
0x3c: {  	p2 =	seq.s32 s10, $0x1;
	s10 =	sld [smem:$0x3FBA]  }
0x3d: {  	_ =	shalt  }
0x3e: {  	_ =	shalt  }
0x3f: {  	_ =	shalt  }
0x40: {  	_ =	shalt  }
0x41: {  	_ =	shalt  }
0x42: {  	_ =	shalt  }
0x43: {  	_ =	shalt  }
0x44: {  	_ =	shalt  }
0x45: {  	_ =	shalt  }
0x46: {  	_ =	shalt  }
0x47: {  	_ =	shalt  }
0x48: {  	_ =	shalt  }
0x49: {  	_ =	shalt  }
0x4a: {  	_ =	shalt  }
0x4b: {  	_ =	shalt  }
0x4c: {  	_ =	shalt  }
0x4d: {  	_ =	shalt  }
0x4e: {  	_ =	shalt  }
0x4f: {  	_ =	shalt  }
0x50: {  	_ =	shalt  }
0x51: {  	_ =	shalt  }
0x52: {  	_ =	shalt  }
0x53: {  	_ =	shalt  }
0x54: {  	_ =	shalt  }
0x55: {  	_ =	shalt  }
0x56: {  	_ =	shalt  }
0x57: {  	_ =	shalt  }
0x58: {  	_ =	shalt  }
0x59: {  	_ =	shalt  }
0x5a: {  	_ =	shalt  }
0x5b: {  	_ =	shalt  }
0x5c: {  	_ =	shalt  }
0x5d: {  	_ =	shalt  }
0x5e: {  	_ =	shalt  }
0x5f: {  	_ =	shalt  }
0x60: {  	_ =	shalt  }
0x61: {  	_ =	shalt  }
0x62: {  	_ =	shalt  }
0x63: {  	_ =	shalt  }
0x64: {  	_ =	shalt  }
0x65: {  	_ =	shalt  }
0x66: {  	_ =	shalt  }
0x67: {  	_ =	shalt  }
0x68: {  	_ =	shalt  }
0x69: {  	_ =	shalt  }
0x6a: {  	_ =	shalt  }
0x6b: {  	_ =	shalt  }
0x6c: {  	_ =	shalt  }
0x6d: {  	_ =	shalt  }
0x6e: {  	_ =	shalt  }
0x6f: {  	_ =	shalt  }
0x70: {  	_ =	shalt  }
0x71: {  	_ =	shalt  }
0x72: {  	_ =	shalt  }
0x73: {  	_ =	shalt  }
0x74: {  	_ =	shalt  }
0x75: {  	_ =	shalt  }
0x76: {  	_ =	shalt  }
0x77: {  	_ =	shalt  }
0x78: {  	_ =	shalt  }
0x79: {  	_ =	shalt  }
0x7a: {  	_ =	shalt  }
0x7b: {  	_ =	shalt  }
0x7c: {  	_ =	shalt  }
0x7d: {  	_ =	shalt  }
0x7e: {  	_ =	shalt  }
0x7f: {  	_ =	shalt  }
0x80: {  	_ =	shalt  }
0x81: {  	_ =	shalt  }
0x82: {  	_ =	shalt  }
0x83: {  	_ =	shalt  }
0x84: {  	_ =	shalt  }
0x85: {  	_ =	shalt  }
0x86: {  	_ =	shalt  }
0x87: {  	_ =	shalt  }
.Lfunc_end0:
.L_simem_size_0:
called_computation_lowered:
.L_overlay_start_0:
0x88: {  	s2 =	sld [smem:$0x3FD9]  }
0x89: {  	s3 =	sld [smem:$0x3FFE];
	_ =	sdelay $0x1  }
0x8a: {  	s1 =	srdreg.scid  }
0x8b: {  	s0 =	sand.u32 $0x1, s1  }
0x8c: {  	s16 =	sshll.u32 s0, $0xA;
	s2 =	sadd.s32 s3, s2  }
0x8d: {  	s2 =	sadd.s32 s2, s16  }
0x8e: {  	[smem:$0x3FC6] =	sst s2  }
0x8f: {  	_ = 	snop  }
0x90: {  	(tm) =	ssettm $0x1  }
0x91: {  	s17 =	sld [smem:$0x3FFB];
	_ =	sdelay $0x3  }
0x92: {  	_ =	strace s17  }
0x93: {  	s2 =	sld [smem:$0x3FFC];
	_ =	sdelay $0x3  }
0x94: {  	_ =	strace s2  }
0x95: {  	s2 =	sld [smem:$0x3FFD];
	_ =	sdelay $0x3  }
0x96: {  	_ =	strace s2  }
0x97: {  	_ =	strace $0x8FFFFFFF  }
0x98: {  	s18 =	sld [smem:$0x3FDB];
	_ =	sdelay $0x1  }
0x99: {  	s19 =	simm.s32 $_scs_section_size  }
0x9a: {  	s4 =	simm.s32 $_size__tile_overlayer_lowered;
	s5 =	simm.s32 $_tile_overlayer_lowered  }
0x9b: {  	s22 =	simm.s32 $0x1BFF;
	s21 =	sshll.u32 s5, $0x1;
	s2 =	sadd.s32 s19, s18  }
0x9c: {  	s6 =	simm.s32 $0x0;
	s20 =	sshll.u32 s4, $0x1;
	s4 =	sadd.s32 s21, s2  }
0x9d: {  	[timem:s6], [sflag:s22] =	dma.local [hbm:s4], s20  }
0x9e: {  	_ =	swait.ge [sflag:s22], s20  }
0x9f: {  	s3 =	ssub.s32 $0x0, s20;
	[sflag:s22] =	ssyncset.done $0x0  }
0xa0: {  	[sflag:s22] =	ssyncadd.s32 s3;
	_ =	sdelay $0x1  }
0xa1: {  	s23 =	simm.s32 $0x1B8B  }
0xa2: {  	_ =	swait.ge [sflag:s23], $0x1  }
0xa3: {  	[sflag:s23] =	ssyncset.done $0x0  }
0xa4: {  	s25 =	simm.s32 $0x1B8E;
	s24 =	sld [smem:$0x3FFE];
	[sflag:s23] =	ssyncadd.s32 $0xFFFFFFFF  }
0xa5: {  	s26 =	simm.s32 $execute0_lowered;
	[smem:$0x3FD2] =	sst s25  }
0xa6: {  	s4 =	sshll.u32 s26, $0x1;
	_ =	strace $0x80000046;
	[dreg:$0x1] =	wrdreg $0xFFFFFFFF  }
0xa7: {  	s28 =	simm.s32 $_size_execute0_lowered;
	s2 =	sadd.s32 s2, s4;
	[dreg:$0x0] =	wrdreg $0x0  }
0xa8: {  	s4 =	sshll.u32 s28, $0x1;
	[dreg:$0x2] =	wrdreg s2  }
0xa9: {  	[dreg:$0x3] =	wrdreg s4  }
0xaa: {  	[dreg:$0x4] =	wrdreg $0xC0  }
0xab: {  	_ =	task [dreg:s6], $0x5FFFF  }
0xac: {  	[dreg:$0x1] =	wrdreg $0xFFFFFFFF  }
0xad: {  	[dreg:$0x0] =	wrdreg $0x60  }
0xae: {  	[dreg:$0x2] =	wrdreg s24  }
0xaf: {  	[dreg:$0x3] =	wrdreg $0x9  }
0xb0: {  	_ =	task.clear_ibuf [dreg:s6], $0x4FFFF;
	_ =	strace $0x90000046  }
0xb1: {  	s29 =	simm.s32 $0x9;
	_ =	strace $0x80000048  }
0xb2: {  	_ =	swait.ge [sflag:s29], $0x1  }
0xb3: {  	[sflag:s29] =	ssyncadd.s32 $0xFFFFFFFF  }
0xb4: {  	_ =	strace $0x90000048  }
0xb5: {  	_ =	sfence  }
0xb6: {  	s30 =	sld [smem:$0x0];
	_ =	sdelay $0x2  }
0xb7: {  	s31 =	sshll.u32 s1, $0xD;
	s1 =	sshrl.u32 s1, $0x2  }
0xb8: {  	s3 =	sand.u32 $0x4000, s31;
	s1 =	sadd.s32 s1, s30  }
0xb9: {  	s0 =	sor.u32 s3, s0;
	s1 =	sshll.u32 s1, $0x11  }
0xba: {  	s0 =	sor.u32 s1, s0  }
0xbb: {  	s0 =	sadd.s32 $0x8F2B, s0  }
0xbc: {  	[sflag:s0] =	ssyncadd.remote.s32 $0x1  }
0xbd: {  	_ =	sfence.sel $0xFFFF  }
0xbe: {  	[dreg:$0x0] =	wrdreg $0xFFFFFFFF;
	(pc) =	sbr.abs _section_cstart, $3  }
0xbf: {  	[dreg:$0x1] =	wrdreg $0xFFFFFFFF  }
0xc0: {  	_ =	task.clear_ibuf [dreg:s6], $0x2FFFF;
	_ =	strace $0x9FFFFFFF  }
0xc1: {  	(tm) =	ssettm $0x7FFFFFFF  }
tec
execute0_lowered:
.L_overlay_start_1:
0x0: {  	(tag) =	ssettag $0x1  }
0x1: {  	s2 =	rddreg [dreg:$0x0]  }
0x2: {  	s0 =	rddreg [dreg:$0x1];
	s1 =	simm.s32 $0x0  }
0x3: {  	v0 =	vimm.s32 $0xFEDCBA98;
	s11 =	stileid.u32;
	s3 =	srdreg.scid;
	s12 =	simm.s32 $0x1280  }
0x4: {  	v1 =	vimm.s32 $0x76543210;
	v2 =	vimm.s32 $0xBA98FEDC;
	s13 =	simm.s32 $0x1A80;
	s14 =	simm.s32 $0x1200;
	s15 =	simm.s32 $0x0  }
0x5: {  	v3 =	vimm.s32 $0x32107654;
	v4 =	vimm.s32 $0xDCFE98BA;
	[smem:$0x7FF] =	sst s1;
	s4 =	sshll.u32 s11, $0x6;
	s3 =	sand.u32 $0x1, s3  }
0x6: {  	v5 =	vimm.s32 $0x54761032;
	v6 =	vimm.s32 $0xEFCDAB89;
	s5 =	sadd.s32 $0x4A00, s2;
	s28 =	sshll.u32 s11, $0x4;
	p0 =	sne.s32 s11, $0x0  }
0x7: {  	v7 =	vimm.s32 $0x67452301;
	vm0 =	vcmask $0x310;
	_ =	strace $0x80000047;
	s4 =	sand.u32 $0x40, s4;
	s6 =	sshll.u32 s3, $0x4  }
0x8: {  	v0 =	vunpack.c.l.s4.s8 v0;
	v1 =	vunpack.c.l.s4.s8 v1;
	v2 =	vunpack.c.l.s4.s8 v2;
	s8 =	sshll.u32 s3, $0x6;
	s9 =	ssub.s32 $0x2, s3;
	s30 =	sand.u32 $0x70, s28  }
0x9: {  	v3 =	vunpack.c.l.s4.s8 v3;
	v4 =	vunpack.c.l.s4.s8 v4;
	v5 =	vunpack.c.l.s4.s8 v5;
	s31 =	sshll.u32 s3, $0x8;
	s4 =	sadd.s32 s4, s2;
	s7 =	sor.u32 s11, s6  }
0xa: {  	v6 =	vunpack.c.l.s4.s8 v6;
	v7 =	vunpack.c.l.s4.s8 v7;
	v0 =	vunpack.c.0.s8.s32 v0;
	s8 =	sadd.s32 s8, s2;
	s6 =	sadd.s32 s6, s2;
	s25 =	sshrl.u32 s9, $0x1  }
0xb: {  	v2 =	vunpack.c.0.s8.s32 v2;
	v3 =	vunpack.c.0.s8.s32 v3;
	v4 =	vunpack.c.0.s8.s32 v4;
	s11 =	simm.s32 $0x1000;
	s10 =	sshll.u32 s7, $0x9;
	s9 =	ssub.s32 s9, s25  }
.Ltmp0:
0xc: {  	v5 =	vunpack.c.0.s8.s32 v5;
	v6 =	vunpack.c.0.s8.s32 v6;
	v7 =	vunpack.c.0.s8.s32 v7;
	s29 =	sshll.u32 s7, $0x4;
	s26 =	sand.u32 $0x3C00, s10;
	(pc) =	sbr.rel .LBB2_1-.Ltmp0, $4  }
0xd: {  	vm1 =	vcmask $0x710;
	v1 =	vunpack.c.0.s8.s32 v1;
	s7 =	sadd.s32 s5, s30;
	s6 =	sadd.s32 $0x4E00, s6;
	v2 =	vcombine.low v3, v2;
	s2 =	sadd.s32 s26, s4  }
0xe: {  	v3 =	vcombine.low v5, v4;
	v4 =	vand.u32 $0xF, v0;
	v5 =	vcombine.low v7, v6;
	s10 =	simm.s32 $0x1;
	s4 =	sand.u32 $0x180, s29;
	s2 =	sadd.s32 $0xA00, s2  }
0xf: {  	vm2 =	vcmask $0xB10;
	v0 =	vlaneseq.u32;
	v1 =	vcombine.low v4, v1;
	s3 =	sadd.s32 s4, s7;
	s4 =	sadd.s32 s5, s31;
	s5 =	sadd.s32 $0x4C00, s8  }
0x10: {  	s7 =	smax.u32 s9, $0x1;
	s8 =	simm.s32 $0x200;
	s9 =	simm.s32 $0x400;
	v2 =	vand.u32 $0xF, v2;
	v3 =	vand.u32 $0xF, v3;
	v4 =	vand.u32 $0xF, v5  }
.LBB2_7:
0x11: {  	s15 =	sadd.s32 $0x1, s15  }
0x12: {  	p1 =	sne.s32 s15, s7  }
.Ltmp1:
0x13: {  	_ = 	snop;
	(pc) =	sbr.rel @!p1 .LBB2_8-.Ltmp1, $1  }
0x14: {  	_ =	sdelay $0x3  }
.LBB2_1:
0x15: {  	[tilespmem:s1], [sflag:$0x1] =	stream.strided.gather [hbm4b:s2+s8], $0x1000, s9, s8, $0x38;
	[tilespmem:$0x1C80] =	vst v63  }
0x16: {  	_ =	swait.ge [sflag:s10], $0x1000  }
0x17: {  	[sflag:s10] =	ssyncset.done $0x0  }
0x18: {  	[sflag:s10] =	ssyncadd.s32 $0xFFFFF000  }
0x19: {  	v6 =	vld [tilespmem:$0x0]  }
0x1a: {  	s17 =	simm.s32 $0x10;
	s16 =	simm.s32 $0x40;
	v8 =	vld [tilespmem:$0x80]  }
0x1b: {  	s18 =	sand.u32 $0x70, s17;
	s16 =	sand.u32 $0xE00, s16;
	v10 =	vld [tilespmem:$0x100]  }
0x1c: {  	s16 =	sor.u32 s18, s16;
	v11 =	vld [tilespmem:$0x180]  }
0x1d: {  	v7 =	vld [tilespmem:s16+$0x0]  }
0x1e: {  	v13 =	vld [tilespmem:s16+$0x80]  }
0x1f: {  	v14 =	vld [tilespmem:s16+$0x100]  }
0x20: {  	v17 =	vld [tilespmem:s16+$0x180]  }
0x21: {  	s31 =	simm.s32 $0x80;
	s16 =	simm.s32 $0x20  }
0x22: {  	s18 =	sand.u32 $0xE00, s31;
	s19 =	sand.u32 $0x70, s16  }
0x23: {  	v5 =	vor.u32 s17, v0;
	s18 =	sor.u32 s19, s18  }
0x24: {  	v16 =	vld [tilespmem:s18+$0x0];
	vm3 =	vlt.f32 v7, v6;
	vm5 =	vlt.f32 v13, v8;
	vm4 =	vlt.f32 v14, v10  }
0x25: {  	v12 =	vld [tilespmem:s18+$0x80];
	v15 =	vsel vm3, v7, v6;
	v7 =	vsel vm3, v5, v0;
	vm3 =	vlt.f32 v17, v11  }
0x26: {  	v9 =	vld [tilespmem:s18+$0x100];
	v13 =	vsel vm5, v13, v8;
	v10 =	vsel vm4, v14, v10;
	v8 =	vlaneseq.u32  }
0x27: {  	s17 =	simm.s32 $0x30;
	v14 =	vld [tilespmem:s18+$0x180];
	s18 =	simm.s32 $0xC0;
	v6 =	vlaneseq.u32;
	v11 =	vsel vm3, v17, v11;
	v17 =	vlaneseq.u32  }
.LBB2_2:
0x28: {  	s19 =	sand.u32 $0x70, s17;
	s20 =	sand.u32 $0xE00, s18;
	v17 =	vsel vm5, v5, v17;
	v8 =	vsel vm4, v5, v8;
	v6 =	vsel vm3, v5, v6;
	p1 =	sne.s32 s17, $0x3F0  }
.Ltmp2:
0x29: {  	s19 =	sor.u32 s19, s20;
	v20 =	vmov v16;
	(pc) =	sbr.rel @p1 .LBB2_2-.Ltmp2, $4  }
0x2a: {  	v5 =	vor.u32 s16, v0;
	s16 =	smov.u32 s17;
	v16 =	vld [tilespmem:s19+$0x0];
	vm3 =	vlt.f32 v20, v15;
	v19 =	vmov v12  }
0x2b: {  	s17 =	sadd.s32 $0x10, s17;
	v12 =	vld [tilespmem:s19+$0x80];
	v15 =	vsel vm3, v20, v15;
	v7 =	vsel vm3, v5, v7;
	v18 =	vmov v9  }
0x2c: {  	vm5 =	vlt.f32 v19, v13;
	v9 =	vld [tilespmem:s19+$0x100];
	vm4 =	vlt.f32 v18, v10;
	vm3 =	vlt.f32 v14, v11  }
0x2d: {  	s18 =	sadd.s32 $0x40, s18;
	v13 =	vsel vm5, v19, v13;
	v10 =	vsel vm4, v18, v10;
	v11 =	vsel vm3, v14, v11;
	v14 =	vld [tilespmem:s19+$0x180]  }
0x2e: {  	_ = 	snop  }
0x2f: {  	vm6 =	vlt.f32 v16, v15  }
0x30: {  	v15 =	vsel vm6, v16, v15  }
0x31: {  	v16 =	vperm.xlane v15, v1;
	_ =	sdelay $0x1  }
0x32: {  	v16 =	vmin.f32 v15, v16  }
0x33: {  	v18 =	vperm.xlane v16, v2;
	_ =	sdelay $0x1  }
0x34: {  	v16 =	vmin.f32 v16, v18  }
0x35: {  	v18 =	vperm.xlane v16, v3;
	_ =	sdelay $0x1  }
0x36: {  	v17 =	vsel vm5, v5, v17;
	v16 =	vmin.f32 v16, v18  }
0x37: {  	vm7 =	vlt.f32 v12, v13;
	vm15 =	vlt.f32 v9, v10;
	v19 =	vperm.xlane v16, v4  }
0x38: {  	v12 =	vsel vm7, v12, v13;
	vm5 =	vlt.f32 v14, v11;
	v9 =	vsel vm15, v9, v10  }
0x39: {  	v10 =	vsel vm5, v14, v11;
	v13 =	vmin.f32 v16, v19;
	v16 =	vperm.xlane v12, v1  }
0x3a: {  	v8 =	vsel vm4, v5, v8;
	v14 =	vperm.xlane v10, v1;
	v18 =	vor.u32 s16, v0  }
0x3b: {  	vm8 =	veq.f32 v15, v13;
	v13 =	vperm.xlane v9, v1;
	v11 =	vmin.f32 v12, v16  }
0x3c: {  	v14 =	vmin.f32 v10, v14;
	v7 =	vsel vm6, v18, v7;
	v15 =	vperm.xlane v11, v2  }
0x3d: {  	v19 =	vperm.xlane v14, v2;
	v7 =	vnsel vm8, $0x40000000, v7;
	v13 =	vmin.f32 v9, v13  }
0x3e: {  	v16 =	vperm.xlane v7, v1;
	v11 =	vmin.f32 v11, v15;
	v15 =	vperm.xlane v13, v2  }
0x3f: {  	v5 =	vsel vm3, v5, v6;
	v6 =	vsel vm7, v18, v17;
	v17 =	vperm.xlane v11, v3  }
0x40: {  	v14 =	vmin.f32 v14, v19;
	vm3 =	vlt.s32 v7, v16;
	v13 =	vmin.f32 v13, v15  }
0x41: {  	v11 =	vmin.f32 v11, v17;
	v15 =	vperm.xlane v13, v3;
	v17 =	vperm.xlane v14, v3  }
0x42: {  	v8 =	vsel vm15, v18, v8;
	v7 =	vsel vm3, v7, v16;
	v16 =	vperm.xlane v11, v4  }
0x43: {  	v19 =	vperm.xlane v7, v2;
	v13 =	vmin.f32 v13, v15;
	v14 =	vmin.f32 v14, v17  }
0x44: {  	v11 =	vmin.f32 v11, v16;
	v15 =	vperm.xlane v13, v4;
	v16 =	vperm.xlane v14, v4  }
0x45: {  	v5 =	vsel vm5, v18, v5;
	vm3 =	vlt.s32 v7, v19;
	vm4 =	veq.f32 v12, v11  }
0x46: {  	v6 =	vnsel vm4, $0x40000000, v6;
	v11 =	vmin.f32 v13, v15;
	v12 =	vmin.f32 v14, v16  }
0x47: {  	v13 =	vperm.xlane v6, v1;
	vm4 =	veq.f32 v9, v11;
	vm5 =	veq.f32 v10, v12  }
0x48: {  	v7 =	vsel vm3, v7, v19;
	v8 =	vnsel vm4, $0x40000000, v8;
	v5 =	vnsel vm5, $0x40000000, v5  }
0x49: {  	s20 =	simm.s32 $0x10;
	vm3 =	vlt.s32 v6, v13;
	v9 =	vperm.xlane v8, v1;
	v10 =	vperm.xlane v5, v1  }
0x4a: {  	v24 =	vor.u32 s20, v0;
	v11 =	vperm.xlane v7, v3;
	v6 =	vsel vm3, v6, v13  }
0x4b: {  	v12 =	vperm.xlane v6, v2;
	vm3 =	vlt.s32 v8, v9;
	vm4 =	vlt.s32 v5, v10  }
0x4c: {  	vm5 =	vlt.s32 v7, v11;
	v8 =	vsel vm3, v8, v9;
	v5 =	vsel vm4, v5, v10  }
0x4d: {  	s17 =	simm.s32 $0x0;
	vm3 =	vlt.s32 v6, v12;
	v9 =	vperm.xlane v8, v2;
	v10 =	vperm.xlane v5, v2  }
0x4e: {  	v16 =	vor.u32 s17, v0;
	v7 =	vsel vm5, v7, v11;
	v6 =	vsel vm3, v6, v12  }
0x4f: {  	v11 =	vperm.xlane v6, v3;
	vm3 =	vlt.s32 v8, v9;
	vm4 =	vlt.s32 v5, v10  }
0x50: {  	v12 =	vperm.xlane v7, v4;
	v8 =	vsel vm3, v8, v9;
	v9 =	vsel vm4, v5, v10  }
0x51: {  	vm3 =	vlt.s32 v6, v11;
	v10 =	vperm.xlane v8, v3;
	v13 =	vperm.xlane v9, v3  }
0x52: {  	v19 =	vand.u32 $0x1F, v16;
	vm4 =	vlt.s32 v7, v12;
	v6 =	vsel vm3, v6, v11  }
0x53: {  	v14 =	vperm.xlane v6, v4;
	vm3 =	vlt.s32 v8, v10;
	vm5 =	vlt.s32 v9, v13  }
0x54: {  	v5 =	vsel vm4, v7, v12;
	v7 =	vsel vm3, v8, v10;
	v8 =	vsel vm5, v9, v13  }
0x55: {  	vm3 =	vlt.s32 v6, v14;
	v9 =	vperm.xlane v7, v4;
	v15 =	vperm.xlane v8, v4  }
0x56: {  	v11 =	vand.u32 $0x1F, v5;
	v10 =	vshra.s32 v5, $0x5;
	v6 =	vsel vm3, v6, v14  }
0x57: {  	v12 =	vshra.s32 v6, $0x5;
	vm3 =	vlt.s32 v7, v9;
	vm4 =	vlt.s32 v8, v15  }
0x58: {  	v7 =	vsel vm3, v7, v9;
	v8 =	vsel vm4, v8, v15;
	v9 =	vmov s17  }
0x59: {  	v14 =	vshra.s32 v8, $0x5;
	v15 =	vand.u32 $0x1F, v8;
	v18 =	vshrl.u32 v9, $0x5  }
0x5a: {  	v9 =	vsub.s32 v19, v11;
	v16 =	vsub.s32 v18, v14;
	v17 =	vsub.s32 v19, v15  }
0x5b: {  	v20 =	vsub.s32 v18, v10;
	v21 =	vmul.u32 v16, v16;
	v22 =	vmul.u32 v17, v17  }
0x5c: {  	v13 =	vand.u32 $0x1F, v6;
	v23 =	vmul.u32 v9, v9;
	v20 =	vmul.u32 v20, v20  }
0x5d: {  	v16 =	vshra.s32 v7, $0x5;
	v17 =	vand.u32 $0x1F, v7;
	v21 =	vadd.s32 v21, v22  }
0x5e: {  	v22 =	vsub.s32 v19, v13;
	v20 =	vadd.s32 v20, v23;
	v23 =	vsub.s32 v18, v12  }
0x5f: {  	v18 =	vsub.s32 v18, v16;
	v19 =	vsub.s32 v19, v17;
	v21 =	vcvt.s32.f32 v21  }
0x60: {  	v22 =	vmul.u32 v22, v22;
	v20 =	vcvt.s32.f32 v20;
	v23 =	vmul.u32 v23, v23  }
0x61: {  	v18 =	vmul.u32 v18, v18;
	v19 =	vmul.u32 v19, v19;
	v21 =	vmul.f32 $-1.887900200e-02, v21  }
0x62: {  	v20 =	vmul.f32 $-1.887900200e-02, v20;
	v22 =	vadd.s32 v23, v22;
	v23 =	vmov s20  }
0x63: {  	v18 =	vadd.s32 v18, v19;
	v22 =	vcvt.s32.f32 v22;
	v19 =	vshrl.u32 v23, $0x5  }
0x64: {  	v23 =	vand.u32 $0x1F, v24;
	v18 =	vcvt.s32.f32 v18;
	v21 =	vmul.f32 $1.442695020e+00, v21  }
0x65: {  	v24 =	vsub.s32 v23, v11;
	v25 =	vsub.s32 v19, v12;
	v26 =	vsub.s32 v19, v10  }
0x66: {  	v27 =	vsub.s32 v23, v17;
	v28 =	vsub.s32 v23, v13;
	v20 =	vmul.f32 $1.442695020e+00, v20  }
0x67: {  	v29 =	vsub.s32 v19, v14;
	v23 =	vsub.s32 v23, v15;
	v19 =	vsub.s32 v19, v16  }
0x68: {  	v26 =	vmul.u32 v26, v26;
	v29 =	vmul.u32 v29, v29;
	v22 =	vmul.f32 $-1.887900200e-02, v22  }
0x69: {  	v23 =	vmul.u32 v23, v23;
	v18 =	vmul.f32 $-1.887900200e-02, v18;
	(erf) = vpow2.f32 v21  }
0x6a: {  	v19 =	vmul.u32 v19, v19;
	v21 =	vmul.u32 v24, v24;
	(erf) = vpow2.f32 v20  }
0x6b: {  	v20 =	vmul.f32 $1.442695020e+00, v22;
	v22 =	vadd.s32 v29, v23;
	v18 =	vmul.f32 $1.442695020e+00, v18  }
0x6c: {  	v23 =	vmul.u32 v27, v27;
	v21 =	vadd.s32 v26, v21;
	v22 =	vcvt.s32.f32 v22  }
0x6d: {  	v24 =	vmul.u32 v28, v28;
	v21 =	vcvt.s32.f32 v21;
	(erf) = vpow2.f32 v20  }
0x6e: {  	v20 =	vmul.u32 v25, v25;
	v19 =	vadd.s32 v19, v23;
	v22 =	vmul.f32 $-1.887900200e-02, v22  }
0x6f: {  	v9 =	vimm.f32 $0.0e+00;
	(erf) = vpow2.f32 v18;
	v38 =	vcvt.s32.f32 v19  }
0x70: {  	s16 =	simm.s32 $0x20;
	v19 =	vimm.f32 $0.0e+00;
	v21 =	vmul.f32 $-1.887900200e-02, v21;
	v18 =	vadd.s32 v20, v24  }
0x71: {  	v20 =	vmov s16;
	v29 =	vcvt.s32.f32 v18;
	v18 =	vor.u32 s16, v0  }
0x72: {  	v27 =	vmul.f32 $1.442695020e+00, v22;
	v20 =	vshrl.u32 v20, $0x5;
	v18 =	vand.u32 $0x1F, v18  }
0x73: {  	v25 =	vsub.s32 v20, v12;
	v26 =	vsub.s32 v20, v10;
	v28 =	vsub.s32 v20, v16  }
0x74: {  	s18 =	simm.s32 $0x40;
	s19 =	sand.u32 $0x70, s17;
	v32 =	vmul.f32 $1.442695020e+00, v21;
	v20 =	vsub.s32 v20, v14;
	v21 =	vimm.f32 $0.0e+00  }
0x75: {  	s30 =	sand.u32 $0x70, s20;
	s31 =	sand.u32 $0xE00, s18;
	s17 =	sand.u32 $0xE00, s17;
	v34 =	vsub.s32 v18, v11;
	v24 =	vsub.s32 v18, v17;
	v31 =	vmul.u32 v26, v26;
	v22 =	vpop (erf)  }
0x76: {  	s19 =	sor.u32 s19, s17;
	s17 =	sor.u32 s30, s31;
	v26 =	vsub.s32 v18, v13;
	v28 =	vmul.u32 v28, v28;
	v37 =	vsub.s32 v18, v15;
	v23 =	vpop (erf)  }
0x77: {  	v35 =	vmul.u32 v20, v20;
	v20 =	vld [tilespmem:s17+$0x0];
	v18 =	vimm.f32 $0.0e+00;
	vm4 =	vlt.f32 v23, $1.000000050e-03;
	v30 =	vpop (erf)  }
0x78: {  	s20 =	simm.s32 $0x30;
	v26 =	vmul.u32 v26, v26;
	vm3 =	vlt.f32 v22, $1.000000050e-03;
	v36 =	vsel vm4, $0x0, v23;
	v23 =	vld [tilespmem:s19+$0x0];
	v33 =	vpop (erf)  }
.LBB2_4:
0x79: {  	p1 =	sne.s32 s20, $0x3F0  }
0x7a: {  	v34 =	vmul.u32 v34, v34;
	v29 =	vmul.f32 $-1.887900200e-02, v29;
	s18 =	sadd.s32 $0x40, s18;
	v36 =	vmul.f32 v36, v36;
	s21 =	smov.u32 s20;
	s20 =	sadd.s32 $0x10, s20  }
0x7b: {  	s22 =	sand.u32 $0x70, s16;
	v37 =	vmul.u32 v37, v37;
	vm4 =	vlt.f32 v33, $1.000000050e-03;
	s23 =	sand.u32 $0xE00, s18;
	v38 =	vmul.f32 $-1.887900200e-02, v38;
	s16 =	smov.u32 s21  }
0x7c: {  	s21 =	sor.u32 s22, s23;
	v29 =	vmul.f32 $1.442695020e+00, v29;
	(erf) = vpow2.f32 v27;
	v27 =	vsel vm4, $0x0, v33  }
0x7d: {  	v35 =	vadd.s32 v35, v37;
	vm4 =	vlt.f32 v30, $1.000000050e-03;
	v33 =	vld [tilespmem:s21+$0x0];
	v37 =	vmul.f32 $1.442695020e+00, v38  }
0x7e: {  	v35 =	vcvt.s32.f32 v35;
	v30 =	vsel vm4, $0x0, v30;
	v39 =	vmul.f32 v27, v27;
	v38 =	vld [tilespmem:s19+$0x80]  }
0x7f: {  	v27 =	vadd.s32 v31, v34;
	v31 =	vmul.f32 v23, v36;
	v23 =	vmovc v20;
	(erf) = vpow2.f32 v32;
	v32 =	vld [tilespmem:s19+$0x180]  }
0x80: {  	v22 =	vsel vm3, $0x0, v22;
	v34 =	vcvt.s32.f32 v27;
	v27 =	vmul.f32 v30, v30  }
0x81: {  	v22 =	vmul.f32 v22, v22;
	v9 =	vadd.f32 v31, v9;
	(erf) = vpow2.f32 v29  }
0x82: {  	v25 =	vmul.u32 v25, v25;
	v36 =	vmul.f32 $-1.887900200e-02, v34;
	v29 =	vmul.f32 $-1.887900200e-02, v35;
	v30 =	vld [tilespmem:s19+$0x100];
	v20 =	vmovc v33;
	s19 =	smov.u32 s17;
	s17 =	smov.u32 s21  }
0x83: {  	v24 =	vmul.u32 v24, v24;
	(erf) = vpow2.f32 v37;
	v31 =	vmul.f32 v38, v27  }
0x84: {  	v25 =	vadd.s32 v25, v26;
	v27 =	vmul.f32 $1.442695020e+00, v29;
	v26 =	vmul.f32 v32, v22  }
0x85: {  	v29 =	vcvt.s32.f32 v25;
	v38 =	vadd.s32 v28, v24;
	v22 =	vpop (erf);
	v21 =	vadd.f32 v31, v21  }
0x86: {  	v24 =	vmov s16;
	v25 =	vor.u32 s16, v0;
	vm3 =	vlt.f32 v22, $1.000000050e-03  }
0x87: {  	v33 =	vshrl.u32 v24, $0x5;
	v35 =	vand.u32 $0x1F, v25;
	v19 =	vadd.f32 v26, v19  }
0x88: {  	v34 =	vsub.s32 v35, v11;
	v25 =	vsub.s32 v33, v12;
	v26 =	vmul.f32 v30, v39;
	v37 =	vpop (erf)  }
.Ltmp3:
0x89: {  	v28 =	vsub.s32 v33, v10;
	v24 =	vsub.s32 v35, v17;
	vm4 =	vlt.f32 v37, $1.000000050e-03;
	(pc) =	sbr.rel @p1 .LBB2_4-.Ltmp3, $4  }
0x8a: {  	v31 =	vmul.u32 v28, v28;
	v28 =	vsub.s32 v35, v13;
	v18 =	vadd.f32 v26, v18;
	v30 =	vpop (erf)  }
0x8b: {  	v32 =	vmul.f32 $1.442695020e+00, v36;
	v26 =	vmul.u32 v28, v28;
	v28 =	vsub.s32 v33, v16  }
0x8c: {  	v39 =	vsub.s32 v33, v14;
	v28 =	vmul.u32 v28, v28;
	v36 =	vsel vm4, $0x0, v37;
	v33 =	vpop (erf)  }
0x8d: {  	v38 =	vcvt.s32.f32 v38;
	v37 =	vsub.s32 v35, v15;
	v35 =	vmul.u32 v39, v39  }
0x8e: {  	v10 =	vmul.u32 v34, v34;
	v11 =	vmul.f32 $-1.887900200e-02, v29  }
0x8f: {  	v12 =	vmul.f32 v36, v36;
	v13 =	vmul.u32 v37, v37;
	(erf) = vpow2.f32 v27  }
0x90: {  	v15 =	vmul.u32 v25, v25;
	v16 =	vmul.u32 v24, v24;
	v14 =	vmul.f32 $-1.887900200e-02, v38  }
0x91: {  	(erf) = vpow2.f32 v32;
	v11 =	vmul.f32 $1.442695020e+00, v11;
	v13 =	vadd.s32 v35, v13  }
0x92: {  	v10 =	vadd.s32 v31, v10;
	v12 =	vmul.f32 v23, v12;
	v14 =	vmul.f32 $1.442695020e+00, v14  }
0x93: {  	v31 =	vadd.s32 v28, v16;
	v13 =	vcvt.s32.f32 v13;
	v10 =	vcvt.s32.f32 v10  }
0x94: {  	v29 =	vadd.s32 v15, v26;
	v32 =	vcvt.s32.f32 v31;
	(erf) = vpow2.f32 v11  }
0x95: {  	v11 =	vcvt.s32.f32 v29;
	v13 =	vmul.f32 $-1.887900200e-02, v13  }
0x96: {  	v10 =	vmul.f32 $-1.887900200e-02, v10;
	(erf) = vpow2.f32 v14  }
0x97: {  	v11 =	vmul.f32 $-1.887900200e-02, v11;
	v13 =	vmul.f32 $1.442695020e+00, v13  }
0x98: {  	v17 =	vld [tilespmem:s19+$0x180];
	v14 =	vmul.f32 $-1.887900200e-02, v32;
	v10 =	vmul.f32 $1.442695020e+00, v10  }
0x99: {  	vm4 =	vlt.f32 v30, $1.000000050e-03;
	v34 =	vld [tilespmem:s19+$0x80];
	v11 =	vmul.f32 $1.442695020e+00, v11;
	(erf) = vpow2.f32 v13  }
0x9a: {  	v38 =	vsel vm3, $0x0, v22;
	v36 =	vmul.f32 $1.442695020e+00, v14;
	(erf) = vpow2.f32 v10  }
0x9b: {  	v39 =	vld [tilespmem:s19+$0x100];
	v35 =	vsel vm4, $0x0, v30;
	v14 =	vmul.f32 v38, v38;
	(erf) = vpow2.f32 v11  }
0x9c: {  	vm13 =	vlt.f32 v33, $1.000000050e-03;
	v37 =	vmul.f32 v35, v35;
	v41 =	vpop (erf);
	(erf) = vpow2.f32 v36  }
0x9d: {  	v40 =	vsel vm13, $0x0, v33;
	v9 =	vadd.f32 v12, v9;
	v44 =	vmul.f32 v17, v14;
	v42 =	vpop (erf)  }
0x9e: {  	v45 =	vld [tilespmem:s17+$0x80];
	v10 =	vmul.f32 v34, v37;
	v11 =	vmul.f32 v40, v40;
	vm3 =	vlt.f32 v42, $1.000000050e-03;
	v43 =	vpop (erf)  }
0x9f: {  	v12 =	vadd.f32 v44, v19;
	v13 =	vsel vm3, $0x0, v42;
	vm3 =	vlt.f32 v43, $1.000000050e-03  }
0xa0: {  	s18 =	sadd.s32 $0x40, s18;
	v11 =	vmul.f32 v39, v11;
	v13 =	vmul.f32 v13, v13;
	v15 =	vsel vm3, $0x0, v43  }
0xa1: {  	s16 =	sand.u32 $0x70, s16;
	s18 =	sand.u32 $0xE00, s18;
	v10 =	vadd.f32 v10, v21;
	v46 =	vpop (erf);
	vm3 =	vlt.f32 v41, $1.000000050e-03;
	v15 =	vmul.f32 v15, v15  }
0xa2: {  	v50 =	vld [tilespmem:s17+$0x100];
	s16 =	sor.u32 s16, s18;
	v11 =	vadd.f32 v11, v18;
	vm14 =	vlt.f32 v46, $1.000000050e-03;
	v13 =	vmul.f32 v20, v13;
	v48 =	vpop (erf)  }
0xa3: {  	v47 =	vld [tilespmem:s16+$0x0];
	v16 =	vsel vm14, $0x0, v46;
	v49 =	vsel vm3, $0x0, v41;
	v14 =	vmul.f32 v45, v15;
	v51 =	vpop (erf)  }
0xa4: {  	v54 =	vld [tilespmem:s16+$0x80];
	v16 =	vmul.f32 v16, v16;
	v9 =	vadd.f32 v13, v9;
	v52 =	vmul.f32 v49, v49;
	v53 =	vpop (erf)  }
0xa5: {  	v55 =	vld [tilespmem:s17+$0x180];
	v10 =	vadd.f32 v14, v10;
	vm3 =	vlt.f32 v51, $1.000000050e-03;
	v56 =	vpop (erf);
	vm15 =	vlt.f32 v53, $1.000000050e-03  }
0xa6: {  	v57 =	vld [tilespmem:s16+$0x100];
	v15 =	vsel vm3, $0x0, v51;
	vm3 =	vlt.f32 v56, $1.000000050e-03;
	v19 =	vsel vm15, $0x0, v53  }
0xa7: {  	v15 =	vmul.f32 v15, v15;
	v14 =	vsel vm3, $0x0, v56;
	v19 =	vmul.f32 v19, v19  }
0xa8: {  	v58 =	vld [tilespmem:s16+$0x180];
	v16 =	vmul.f32 v50, v16;
	vm3 =	vlt.f32 v48, $1.000000050e-03;
	v14 =	vmul.f32 v14, v14  }
0xa9: {  	v15 =	vmul.f32 v47, v15;
	v59 =	vsel vm3, $0x0, v48;
	v60 =	vmul.f32 v54, v19  }
0xaa: {  	v13 =	vmul.f32 v55, v52;
	v11 =	vadd.f32 v16, v11;
	v61 =	vmul.f32 v59, v59  }
0xab: {  	v9 =	vadd.f32 v15, v9;
	v14 =	vmul.f32 v57, v14;
	v10 =	vadd.f32 v60, v10  }
0xac: {  	v12 =	vadd.f32 v13, v12;
	vm3 =	vmmov $0x1  }
0xad: {  	v62 =	vmul.f32 v58, v61;
	v11 =	vadd.f32 v14, v11;
	v9 =	vadd.f32 v10, v9  }
0xae: {  	v5 =	vnsel vm3, $0x0, v5  }
0xaf: {  	v5 =	vsel vm0, v5, v6;
	v63 =	vadd.f32 v62, v12;
	v6 =	vadd.f32 v11, v9  }
0xb0: {  	v5 =	vsel vm1, v5, v7  }
0xb1: {  	v5 =	vsel vm2, v5, v8;
	v6 =	vadd.f32 v63, v6  }
0xb2: {  	[tilespmem:$0x1000] =	vst v5  }
0xb3: {  	[tilespmem:$0x1010] =	vst v6  }
0xb4: {  	[hbm4b:s3+s1] =	stream.linear.scatter [tilespmem:s11], [sflag:$0x1], $0x80, $0x38;
	[tilespmem:$0x1C80] =	vst v63  }
.Ltmp4:
0xb5: {  	_ =	swait.ge [sflag:s10], $0x80;
	(pc) =	sbr.rel @p0 .LBB2_7-.Ltmp4, $3  }
0xb6: {  	[sflag:s10] =	ssyncset.done $0x0  }
0xb7: {  	[sflag:s10] =	ssyncadd.s32 $0xFFFFFF80  }
0xb8: {  	[bflag:$0x0] =	sbarrier.arrive $0xFFFF;
	_ =	sdelay $0x1  }
0xb9: {  	[tilespmem:s12], [sflag:$0x1] =	stream.linear.gather [hbm4b:s4+s1], $0x800, $0x38;
	[tilespmem:$0x1C80] =	vst v63  }
0xba: {  	_ =	swait.ge [sflag:s10], $0x800  }
0xbb: {  	[sflag:s10] =	ssyncset.done $0x0  }
0xbc: {  	[sflag:s10] =	ssyncadd.s32 $0xFFFFF800  }
0xbd: {  	v5 =	vld [tilespmem:$0x1280]  }
0xbe: {  	v6 =	vld [tilespmem:$0x1300]  }
0xbf: {  	v7 =	vld [tilespmem:$0x1380]  }
0xc0: {  	v8 =	vld [tilespmem:$0x1400]  }
0xc1: {  	v9 =	vld [tilespmem:$0x1480]  }
0xc2: {  	v10 =	vld [tilespmem:$0x1500]  }
0xc3: {  	v11 =	vld [tilespmem:$0x1580]  }
0xc4: {  	v12 =	vld [tilespmem:$0x1600]  }
0xc5: {  	v13 =	vld [tilespmem:$0x1680]  }
0xc6: {  	v15 =	vld [tilespmem:$0x1700]  }
0xc7: {  	v16 =	vld [tilespmem:$0x1780]  }
0xc8: {  	v14 =	vand.u32 $0x3, v0;
	v17 =	vld [tilespmem:$0x1800]  }
0xc9: {  	v50 =	vld [tilespmem:$0x1900];
	v5 =	vperm.xlane v5, v14;
	v6 =	vperm.xlane v6, v14  }
0xca: {  	vm3 =	vmmov $0xf;
	v18 =	vld [tilespmem:$0x1980];
	v7 =	vperm.xlane v7, v14  }
0xcb: {  	v9 =	vperm.xlane v9, v14;
	v10 =	vperm.xlane v10, v14;
	v5 =	vsel vm3, v5, v6;
	v6 =	vld [tilespmem:$0x1880]  }
0xcc: {  	vm4 =	vmmov $0xff;
	v51 =	vld [tilespmem:$0x1A00];
	v52 =	vperm.xlane v12, v14;
	v53 =	vperm.xlane v13, v14  }
0xcd: {  	v54 =	vperm.xlane v15, v14;
	v5 =	vsel vm4, v5, v7;
	v7 =	vperm.xlane v8, v14  }
0xce: {  	vm5 =	vmmov $0xfff;
	v55 =	vperm.xlane v16, v14;
	v56 =	vperm.xlane v17, v14  }
0xcf: {  	v57 =	vperm.xlane v18, v14;
	v5 =	vsel vm5, v5, v7;
	v7 =	vperm.xlane v11, v14  }
0xd0: {  	v9 =	vsel vm3, v9, v10;
	v8 =	vperm.xlane v50, v14;
	v6 =	vperm.xlane v6, v14  }
0xd1: {  	v58 =	vperm.xlane v51, v14;
	v7 =	vsel vm4, v9, v7;
	v9 =	vsel vm3, v53, v54  }
0xd2: {  	[tilespmem:$0x1A80] =	vst v5;
	v7 =	vsel vm5, v7, v52;
	v5 =	vsel vm4, v9, v55;
	v6 =	vsel vm3, v6, v8  }
0xd3: {  	[tilespmem:$0x1B00] =	vst v7;
	v5 =	vsel vm5, v5, v56;
	v6 =	vsel vm4, v6, v57  }
0xd4: {  	[tilespmem:$0x1B80] =	vst v5;
	v5 =	vsel vm5, v6, v58  }
0xd5: {  	[tilespmem:$0x1C00] =	vst v5  }
0xd6: {  	[hbm4b:s5+s1] =	stream.linear.scatter [tilespmem:s13], [sflag:$0x1], $0x200, $0x38;
	[tilespmem:$0x1C80] =	vst v63  }
0xd7: {  	_ =	swait.ge [sflag:s10], $0x200  }
0xd8: {  	[sflag:s10] =	ssyncset.done $0x0  }
0xd9: {  	[sflag:s10] =	ssyncadd.s32 $0xFFFFFE00  }
0xda: {  	v5 =	vld [tilespmem:$0x1290];
	_ =	sdelay $0x1  }
0xdb: {  	v6 =	vld [tilespmem:$0x1310];
	_ =	sdelay $0x1  }
0xdc: {  	v7 =	vld [tilespmem:$0x1390]  }
0xdd: {  	v5 =	vadd.f32 $0.0e+00, v5  }
0xde: {  	v59 =	vld [tilespmem:$0x1410]  }
0xdf: {  	v5 =	vadd.f32 v6, v5  }
0xe0: {  	v6 =	vld [tilespmem:$0x1490]  }
0xe1: {  	v5 =	vadd.f32 v7, v5  }
0xe2: {  	v7 =	vld [tilespmem:$0x1510]  }
0xe3: {  	v5 =	vadd.f32 v59, v5  }
0xe4: {  	v60 =	vld [tilespmem:$0x1590]  }
0xe5: {  	v5 =	vadd.f32 v6, v5  }
0xe6: {  	v6 =	vld [tilespmem:$0x1610]  }
0xe7: {  	v5 =	vadd.f32 v7, v5  }
0xe8: {  	v7 =	vld [tilespmem:$0x1690]  }
0xe9: {  	v5 =	vadd.f32 v60, v5  }
0xea: {  	v61 =	vld [tilespmem:$0x1710]  }
0xeb: {  	v5 =	vadd.f32 v6, v5  }
0xec: {  	v6 =	vld [tilespmem:$0x1790]  }
0xed: {  	v5 =	vadd.f32 v7, v5  }
0xee: {  	v7 =	vld [tilespmem:$0x1810]  }
0xef: {  	v5 =	vadd.f32 v61, v5  }
0xf0: {  	v62 =	vld [tilespmem:$0x1890]  }
0xf1: {  	v5 =	vadd.f32 v6, v5  }
0xf2: {  	v6 =	vld [tilespmem:$0x1910]  }
0xf3: {  	v5 =	vadd.f32 v7, v5  }
0xf4: {  	v7 =	vld [tilespmem:$0x1990]  }
0xf5: {  	v5 =	vadd.f32 v62, v5  }
0xf6: {  	v63 =	vld [tilespmem:$0x1A10]  }
0xf7: {  	v5 =	vadd.f32 v6, v5;
	_ =	sdelay $0x1  }
0xf8: {  	v5 =	vadd.f32 v7, v5;
	_ =	sdelay $0x1  }
0xf9: {  	v5 =	vadd.f32 v63, v5;
	_ =	sdelay $0x1  }
.Ltmp5:
0xfa: {  	[tilespmem:$0x1200] =	vst v5;
	(pc) =	sbr.rel .LBB2_7-.Ltmp5, $4  }
0xfb: {  	[hbm4b:s6+s1] =	stream.linear.scatter [tilespmem:s14], [sflag:$0x1], $0x80, $0x38;
	[tilespmem:$0x1C80] =	vst v63  }
0xfc: {  	_ =	swait.ge [sflag:s10], $0x80  }
0xfd: {  	[sflag:s10] =	ssyncset.done $0x0  }
0xfe: {  	[sflag:s10] =	ssyncadd.s32 $0xFFFFFF80  }
.LBB2_8:
0xff: {  	_ =	sfence.sel $0x180000  }
0x100: {  	[bflag:$0x0] =	sbarrier.arrive $0xFFFF  }
0x101: {  	_ =	strace $0x90000047  }
0x102: {  	s0 =	sadd.s32 @!p0 $0x100000, s0;
	[bflag:$0x2] =	sbarrier.arrive $0xFFFF  }
0x103: {  	[sflag:s0] =	ssyncadd.tile.s32 @!p0 $0x1;
	_ =	shalt  }
.Lfunc_end2:
_tile_overlayer_lowered:
.L_overlay_start_2:
0x104: {  	(tag) =	ssettag $0x2  }
0x105: {  	s0 =	rddreg [dreg:$0x0];
	s2 =	stileid.u32  }
0x106: {  	s1 =	rddreg [dreg:$0x1];
	p0 =	sne.s32 s2, $0x0  }
0x107: {  	s3 =	rddreg [dreg:$0x2];
	[bflag:$0x3] =	sbarrier.arrive $0xFFFF;
	s2 =	simm.s32 @!p0 $0x1C01  }
0x108: {  	[timem:s3], [sflag:s2] =	dma.local @!p0 [hbm:s0], s1  }
0x109: {  	s0 =	simm.s32 @!p0 $0x1  }
0x10a: {  	_ =	swait.ge @!p0 [sflag:s0], s1  }
0x10b: {  	s1 =	ssub.s32 @!p0 $0x0, s1;
	[sflag:s0] =	ssyncset.done @!p0 $0x0  }
0x10c: {  	[sflag:s0] =	ssyncadd.s32 @!p0 s1  }
0x10d: {  	[bflag:$0x3] =	sbarrier.arrive $0xFFFF  }
0x10e: {  	_ =	shalt  }

</sc_bundles>
